<compile_context>
chip_gen: v7x
topology: tpu7x:2x2x1
jax: 0.10.2.dev20260603
libtpu: 0.0.44.dev20260713+nightly
codegen_flags: <defaults>
</compile_context>

<pallas_src>
import functools

import jax
import jax.numpy as jnp
from jax import lax
from jax.experimental import pallas as pl
from jax.experimental.pallas import tpu as pltpu
from jax.experimental.pallas import tpu_sc as plsc

N_CLS = 1000
N_CTX = 16
CTX_DIM = 512
SEQ = 77
SUF = SEQ - 1 - N_CTX
B = 4096

NC = 2
NS = 16
NW = NC * NS
BPW = B // NW

CB = 40
CHUNK = 64
NT = SEQ * (BPW // CHUNK)
IPW = SEQ * BPW


def _table_body(pfx_ref, sfx_ref, ctx_ref, out_ref):
    for k in range(CB):
        r = k * SEQ
        out_ref[pl.ds(r, 1), :] = pfx_ref[k]
        out_ref[pl.ds(r + 1, N_CTX), :] = ctx_ref[...]
        out_ref[pl.ds(r + 1 + N_CTX, SUF), :] = sfx_ref[:, k, :]


_build_table = pl.pallas_call(
    _table_body,
    grid=(N_CLS // CB,),
    in_specs=[
        pl.BlockSpec((CB, 1, CTX_DIM), lambda i: (i, 0, 0)),
        pl.BlockSpec((SUF, CB, CTX_DIM), lambda i: (0, i, 0)),
        pl.BlockSpec((N_CTX, CTX_DIM), lambda i: (0, 0)),
    ],
    out_specs=pl.BlockSpec((CB * SEQ, CTX_DIM), lambda i: (i, 0)),
    out_shape=jax.ShapeDtypeStruct((N_CLS * SEQ, CTX_DIM), jnp.float32),
)

_mesh = plsc.VectorSubcoreMesh(core_axis_name="c", subcore_axis_name="s")


@functools.partial(
    pl.kernel,
    out_type=jax.ShapeDtypeStruct((SEQ * B, CTX_DIM), jnp.float32),
    mesh=_mesh,
    scratch_types=[
        pltpu.VMEM((IPW,), jnp.int32),
        pltpu.VMEM((CHUNK, CTX_DIM), jnp.float32),
        pltpu.VMEM((CHUNK, CTX_DIM), jnp.float32),
        pltpu.VMEM((CHUNK, CTX_DIM), jnp.float32),
        pltpu.SemaphoreType.DMA,
        pltpu.SemaphoreType.DMA,
        pltpu.SemaphoreType.DMA,
        pltpu.SemaphoreType.DMA,
        pltpu.SemaphoreType.DMA,
        pltpu.SemaphoreType.DMA,
    ],
)
def _route_kernel(tbl_hbm, eidx_hbm, out_hbm, idx_v, buf0_v, buf1_v, buf2_v,
                  semg0, semg1, semg2, semw0, semw1, semw2):
    wid = lax.axis_index("s") * NC + lax.axis_index("c")
    base = wid * BPW
    pltpu.sync_copy(eidx_hbm.at[pl.ds(wid * IPW, IPW)], idx_v)

    bufs = (buf0_v, buf1_v, buf2_v)
    semgs = (semg0, semg1, semg2)
    semws = (semw0, semw1, semw2)

    def _dst(t):
        s = lax.div(t, 2)
        h = t - 2 * s
        return out_hbm.at[pl.ds(s * B + base + h * CHUNK, CHUNK), :]

    def _fetch(t, sl):
        pltpu.async_copy(
            tbl_hbm.at[idx_v.at[pl.ds(t * CHUNK, CHUNK)]], bufs[sl], semgs[sl])

    def _fetch_wait(sl):
        pltpu.make_async_copy(
            tbl_hbm.at[pl.ds(0, CHUNK)], bufs[sl], semgs[sl]).wait()

    def _write(t, sl):
        pltpu.async_copy(bufs[sl], _dst(t), semws[sl])

    def _write_wait(sl):
        pltpu.make_async_copy(bufs[sl], out_hbm.at[pl.ds(0, CHUNK)], semws[sl]).wait()

    _fetch(0, 0)
    _fetch(1, 1)
    _fetch(2, 2)

    def body(m, carry):
        t0 = 3 * m
        for j in range(3):
            _fetch_wait(j)
            _write(t0 + j, j)
        for j in range(3):
            _write_wait(j)
            _fetch(lax.rem(t0 + 3 + j, NT), j)
        return carry

    lax.fori_loop(0, NT // 3, body, 0)
    _fetch_wait(0)
    _write(NT - 1, 0)
    _write_wait(0)
    _fetch_wait(1)
    _fetch_wait(2)


def kernel(ctx, token_prefix, token_suffix, compare_idx):
    tbl = _build_table(token_prefix, jnp.swapaxes(token_suffix, 0, 1), ctx)
    idx = compare_idx.astype(jnp.int32)
    eidx = (idx.reshape(NW, 1, BPW) * SEQ
            + jnp.arange(SEQ, dtype=jnp.int32).reshape(1, SEQ, 1)).reshape(-1)
    out2d = _route_kernel(tbl, eidx)
    return jnp.swapaxes(out2d.reshape(SEQ, B, CTX_DIM), 0, 1)

# --- scband reference (transcript-rebuilt; emitter-appended) ---
"""Pipeline reference for scband-prompt-learner-68143951118890 (READ-ONLY COPY).

The authoritative reference and input builder live on the scoring server;
editing this copy changes nothing except your own understanding.
"""

import jax, jax.numpy as jnp
import numpy as np

N_CLS = 1000
N_CTX = 16
CTX_DIM = 512
SEQ = 77
SUF = SEQ - 1 - N_CTX  # 60
B = 4096


def setup_inputs(seed: int = 0) -> dict:
    key = jax.random.key(seed)
    k1, k2, k3, k4 = jax.random.split(key, 4)
    # learned context vectors (nn.Parameter, init std=0.02)
    ctx = jax.random.normal(k1, (N_CTX, CTX_DIM), dtype=jnp.float32) * 0.02
    # frozen CLIP token embeddings split into prefix (SOS) and suffix (class tokens + EOS + pad)
    token_prefix = jax.random.normal(k2, (N_CLS, 1, CTX_DIM), dtype=jnp.float32)
    token_suffix = jax.random.normal(k3, (N_CLS, SUF, CTX_DIM), dtype=jnp.float32)
    compare_idx = jax.random.randint(k4, (B,), 0, N_CLS, dtype=jnp.int64 if jax.config.jax_enable_x64 else jnp.int32)
    return {
        "ctx": ctx,
        "token_prefix": token_prefix,
        "token_suffix": token_suffix,
        "compare_idx": compare_idx,
    }


def reference(ctx, token_prefix, token_suffix, compare_idx):
    # ctx.dim() == 2 -> unsqueeze(0).expand(n_cls, -1, -1)
    n_cls = token_prefix.shape[0]
    ctx_exp = jnp.broadcast_to(ctx[None, :, :], (n_cls, ctx.shape[0], ctx.shape[1]))
    # class_token_position == 'end': cat([prefix[idx], ctx[idx], suffix[idx]], dim=1)
    prefix_g = jnp.take(token_prefix, compare_idx, axis=0)
    ctx_g = jnp.take(ctx_exp, compare_idx, axis=0)
    suffix_g = jnp.take(token_suffix, compare_idx, axis=0)
    prompts = jnp.concatenate([prefix_g, ctx_g, suffix_g], axis=1)
    return prompts

if __name__ == "__main__":
    import jax
    _d = setup_inputs()
    print(jax.jit(kernel)(*tuple(_d.values())))

</pallas_src>

<mosaic_0001>
#map = affine_map<(d0, d1) -> (0, 0)>
#map1 = affine_map<(d0, d1) -> (0)>
module attributes {stable_mosaic.version = 14 : i64} {
  func.func @_route_kernel(%arg0: i32, %arg1: i32, %arg2: memref<77000x512xf32, #tpu.memory_space<hbm>>, %arg3: memref<315392xi32, #tpu.memory_space<hbm>>, %arg4: memref<315392x512xf32, #tpu.memory_space<hbm>>, %arg5: memref<9856xi32, #tpu.memory_space<vmem>>, %arg6: memref<64x512xf32, #tpu.memory_space<vmem>>, %arg7: memref<64x512xf32, #tpu.memory_space<vmem>>, %arg8: memref<64x512xf32, #tpu.memory_space<vmem>>, %arg9: memref<!tpu.dma_semaphore, #tpu.memory_space<semaphore_mem>>, %arg10: memref<!tpu.dma_semaphore, #tpu.memory_space<semaphore_mem>>, %arg11: memref<!tpu.dma_semaphore, #tpu.memory_space<semaphore_mem>>, %arg12: memref<!tpu.dma_semaphore, #tpu.memory_space<semaphore_mem>>, %arg13: memref<!tpu.dma_semaphore, #tpu.memory_space<semaphore_mem>>, %arg14: memref<!tpu.dma_semaphore, #tpu.memory_space<semaphore_mem>>) attributes {dimension_semantics = [#tpu.dimension_semantics<core_parallel>, #tpu.dimension_semantics<subcore_parallel>], iteration_bounds = array<i64: 2, 16>, scalar_prefetch = 0 : i64, scratch_operands = 10 : i64, tpu.core_type = #tpu.core_type<sc_vector_subcore>, window_params = [{transform_indices = #map}, {transform_indices = #map1}, {transform_indices = #map}]} {
    %mul3A = arith.constant 2 : i32
    %mul3A_0 = arith.muli %arg1, %mul3A : i32
    %add3A = arith.addi %mul3A_0, %arg0 : i32
    %mul3A_1 = arith.constant 128 : i32
    %mul3A_2 = arith.muli %add3A, %mul3A_1 : i32
    %mul3A_3 = arith.constant 9856 : i32
    %mul3A_4 = arith.muli %add3A, %mul3A_3 : i32
    "tpu.region"() ({
      %run_scoped3A = tpu.sem_alloc : memref<!tpu.dma_semaphore, #tpu.memory_space<semaphore_mem>>
      %dma_start3A_62 = tpu.memref_slice %arg3[%mul3A_4] : memref<315392xi32, #tpu.memory_space<hbm>> -> memref<9856xi32, #tpu.memory_space<hbm>>
      %dma_start3A_63 = tpu.memref_slice %arg3[%mul3A_4] : memref<315392xi32, #tpu.memory_space<hbm>> -> memref<9856xi32, #tpu.memory_space<hbm>>
      tpu.enqueue_dma source(%dma_start3A_63 : memref<9856xi32, #tpu.memory_space<hbm>>) target(%arg5 : memref<9856xi32, #tpu.memory_space<vmem>>) target_semaphore(%run_scoped3A : memref<!tpu.dma_semaphore, #tpu.memory_space<semaphore_mem>>)
      %dma_wait3A_64 = tpu.memref_slice %arg3[%mul3A_4] : memref<315392xi32, #tpu.memory_space<hbm>> -> memref<9856xi32, #tpu.memory_space<hbm>>
      %dma_wait3A_65 = tpu.memref_slice %arg3[%mul3A_4] : memref<315392xi32, #tpu.memory_space<hbm>> -> memref<9856xi32, #tpu.memory_space<hbm>>
      tpu.wait_dma2 semaphore(%run_scoped3A : memref<!tpu.dma_semaphore, #tpu.memory_space<semaphore_mem>>) src(%dma_wait3A_65 : memref<9856xi32, #tpu.memory_space<hbm>>) dst(%arg5 : memref<9856xi32, #tpu.memory_space<vmem>>)
      tpu.yield
    }) : () -> ()
    %dma_start3A = arith.constant 0 : i32
    %dma_start3A_5 = tpu.memref_slice %arg5[%dma_start3A] : memref<9856xi32, #tpu.memory_space<vmem>> -> memref<64xi32, #tpu.memory_space<vmem>>
    %dma_start3A_6 = arith.constant 0 : i32
    %dma_start3A_7 = arith.constant 0 : i32
    %dma_start3A_8 = tpu.memref_slice %arg2[%dma_start3A_6, %dma_start3A_7] : memref<77000x512xf32, #tpu.memory_space<hbm>> -> memref<77000x512xf32, #tpu.memory_space<hbm>>
    tpu.enqueue_indirect_dma source(%dma_start3A_8 : memref<77000x512xf32, #tpu.memory_space<hbm>>) target(%arg6 : memref<64x512xf32, #tpu.memory_space<vmem>>) offsets(%dma_start3A_5 : memref<64xi32, #tpu.memory_space<vmem>>) semaphore(%arg9 : memref<!tpu.dma_semaphore, #tpu.memory_space<semaphore_mem>>)
    %dma_start3A_9 = arith.constant 64 : i32
    %dma_start3A_10 = tpu.memref_slice %arg5[%dma_start3A_9] : memref<9856xi32, #tpu.memory_space<vmem>> -> memref<64xi32, #tpu.memory_space<vmem>>
    %dma_start3A_11 = arith.constant 0 : i32
    %dma_start3A_12 = arith.constant 0 : i32
    %dma_start3A_13 = tpu.memref_slice %arg2[%dma_start3A_11, %dma_start3A_12] : memref<77000x512xf32, #tpu.memory_space<hbm>> -> memref<77000x512xf32, #tpu.memory_space<hbm>>
    tpu.enqueue_indirect_dma source(%dma_start3A_13 : memref<77000x512xf32, #tpu.memory_space<hbm>>) target(%arg7 : memref<64x512xf32, #tpu.memory_space<vmem>>) offsets(%dma_start3A_10 : memref<64xi32, #tpu.memory_space<vmem>>) semaphore(%arg10 : memref<!tpu.dma_semaphore, #tpu.memory_space<semaphore_mem>>)
    %dma_start3A_14 = arith.constant 128 : i32
    %dma_start3A_15 = tpu.memref_slice %arg5[%dma_start3A_14] : memref<9856xi32, #tpu.memory_space<vmem>> -> memref<64xi32, #tpu.memory_space<vmem>>
    %dma_start3A_16 = arith.constant 0 : i32
    %dma_start3A_17 = arith.constant 0 : i32
    %dma_start3A_18 = tpu.memref_slice %arg2[%dma_start3A_16, %dma_start3A_17] : memref<77000x512xf32, #tpu.memory_space<hbm>> -> memref<77000x512xf32, #tpu.memory_space<hbm>>
    tpu.enqueue_indirect_dma source(%dma_start3A_18 : memref<77000x512xf32, #tpu.memory_space<hbm>>) target(%arg8 : memref<64x512xf32, #tpu.memory_space<vmem>>) offsets(%dma_start3A_15 : memref<64xi32, #tpu.memory_space<vmem>>) semaphore(%arg11 : memref<!tpu.dma_semaphore, #tpu.memory_space<semaphore_mem>>)
    %scan3A = arith.constant 0 : i32
    %scan3A_19 = arith.constant 0 : i32
    %scan3A_20 = arith.constant 51 : i32
    %scan3A_21 = arith.addi %scan3A_19, %scan3A_20 : i32
    %scan3A_22 = arith.constant 1 : i32
    scf.for %scan3A_62 = %scan3A_19 to %scan3A_21 step %scan3A_22  : i32 {
      %mul3A_63 = arith.constant 3 : i32
      %mul3A_64 = arith.muli %mul3A_63, %scan3A_62 : i32
      %dma_wait3A_65 = arith.constant 0 : i32
      %dma_wait3A_66 = arith.constant 0 : i32
      %dma_wait3A_67 = tpu.memref_slice %arg2[%dma_wait3A_65, %dma_wait3A_66] : memref<77000x512xf32, #tpu.memory_space<hbm>> -> memref<64x512xf32, #tpu.memory_space<hbm>>
      %dma_wait3A_68 = arith.constant 0 : i32
      %dma_wait3A_69 = arith.constant 0 : i32
      %dma_wait3A_70 = tpu.memref_slice %arg2[%dma_wait3A_68, %dma_wait3A_69] : memref<77000x512xf32, #tpu.memory_space<hbm>> -> memref<64x512xf32, #tpu.memory_space<hbm>>
      tpu.wait_dma2 semaphore(%arg9 : memref<!tpu.dma_semaphore, #tpu.memory_space<semaphore_mem>>) src(%dma_wait3A_70 : memref<64x512xf32, #tpu.memory_space<hbm>>) dst(%arg6 : memref<64x512xf32, #tpu.memory_space<vmem>>)
      %add3A_71 = arith.constant 0 : i32
      %add3A_72 = arith.addi %mul3A_64, %add3A_71 : i32
      %div3A_73 = arith.constant 2 : i32
      %div3A_74 = arith.divsi %add3A_72, %div3A_73 : i32
      %mul3A_75 = arith.constant 2 : i32
      %mul3A_76 = arith.muli %mul3A_75, %div3A_74 : i32
      %sub3A_77 = arith.subi %add3A_72, %mul3A_76 : i32
      %mul3A_78 = arith.constant 4096 : i32
      %mul3A_79 = arith.muli %div3A_74, %mul3A_78 : i32
      %add3A_80 = arith.addi %mul3A_79, %mul3A_2 : i32
      %mul3A_81 = arith.constant 64 : i32
      %mul3A_82 = arith.muli %sub3A_77, %mul3A_81 : i32
      %add3A_83 = arith.addi %add3A_80, %mul3A_82 : i32
      %dma_start3A_84 = arith.constant 0 : i32
      %dma_start3A_85 = tpu.memref_slice %arg4[%add3A_83, %dma_start3A_84] : memref<315392x512xf32, #tpu.memory_space<hbm>> -> memref<64x512xf32, #tpu.memory_space<hbm>>
      %dma_start3A_86 = arith.constant 0 : i32
      %dma_start3A_87 = tpu.memref_slice %arg4[%add3A_83, %dma_start3A_86] : memref<315392x512xf32, #tpu.memory_space<hbm>> -> memref<64x512xf32, #tpu.memory_space<hbm>>
      tpu.enqueue_dma source(%arg6 : memref<64x512xf32, #tpu.memory_space<vmem>>) target(%dma_start3A_87 : memref<64x512xf32, #tpu.memory_space<hbm>>) target_semaphore(%arg12 : memref<!tpu.dma_semaphore, #tpu.memory_space<semaphore_mem>>)
      %dma_wait3A_88 = arith.constant 0 : i32
      %dma_wait3A_89 = arith.constant 0 : i32
      %dma_wait3A_90 = tpu.memref_slice %arg2[%dma_wait3A_88, %dma_wait3A_89] : memref<77000x512xf32, #tpu.memory_space<hbm>> -> memref<64x512xf32, #tpu.memory_space<hbm>>
      %dma_wait3A_91 = arith.constant 0 : i32
      %dma_wait3A_92 = arith.constant 0 : i32
      %dma_wait3A_93 = tpu.memref_slice %arg2[%dma_wait3A_91, %dma_wait3A_92] : memref<77000x512xf32, #tpu.memory_space<hbm>> -> memref<64x512xf32, #tpu.memory_space<hbm>>
      tpu.wait_dma2 semaphore(%arg10 : memref<!tpu.dma_semaphore, #tpu.memory_space<semaphore_mem>>) src(%dma_wait3A_93 : memref<64x512xf32, #tpu.memory_space<hbm>>) dst(%arg7 : memref<64x512xf32, #tpu.memory_space<vmem>>)
      %add3A_94 = arith.constant 1 : i32
      %add3A_95 = arith.addi %mul3A_64, %add3A_94 : i32
      %div3A_96 = arith.constant 2 : i32
      %div3A_97 = arith.divsi %add3A_95, %div3A_96 : i32
      %mul3A_98 = arith.constant 2 : i32
      %mul3A_99 = arith.muli %mul3A_98, %div3A_97 : i32
      %sub3A_100 = arith.subi %add3A_95, %mul3A_99 : i32
      %mul3A_101 = arith.constant 4096 : i32
      %mul3A_102 = arith.muli %div3A_97, %mul3A_101 : i32
      %add3A_103 = arith.addi %mul3A_102, %mul3A_2 : i32
      %mul3A_104 = arith.constant 64 : i32
      %mul3A_105 = arith.muli %sub3A_100, %mul3A_104 : i32
      %add3A_106 = arith.addi %add3A_103, %mul3A_105 : i32
      %dma_start3A_107 = arith.constant 0 : i32
      %dma_start3A_108 = tpu.memref_slice %arg4[%add3A_106, %dma_start3A_107] : memref<315392x512xf32, #tpu.memory_space<hbm>> -> memref<64x512xf32, #tpu.memory_space<hbm>>
      %dma_start3A_109 = arith.constant 0 : i32
      %dma_start3A_110 = tpu.memref_slice %arg4[%add3A_106, %dma_start3A_109] : memref<315392x512xf32, #tpu.memory_space<hbm>> -> memref<64x512xf32, #tpu.memory_space<hbm>>
      tpu.enqueue_dma source(%arg7 : memref<64x512xf32, #tpu.memory_space<vmem>>) target(%dma_start3A_110 : memref<64x512xf32, #tpu.memory_space<hbm>>) target_semaphore(%arg13 : memref<!tpu.dma_semaphore, #tpu.memory_space<semaphore_mem>>)
      %dma_wait3A_111 = arith.constant 0 : i32
      %dma_wait3A_112 = arith.constant 0 : i32
      %dma_wait3A_113 = tpu.memref_slice %arg2[%dma_wait3A_111, %dma_wait3A_112] : memref<77000x512xf32, #tpu.memory_space<hbm>> -> memref<64x512xf32, #tpu.memory_space<hbm>>
      %dma_wait3A_114 = arith.constant 0 : i32
      %dma_wait3A_115 = arith.constant 0 : i32
      %dma_wait3A_116 = tpu.memref_slice %arg2[%dma_wait3A_114, %dma_wait3A_115] : memref<77000x512xf32, #tpu.memory_space<hbm>> -> memref<64x512xf32, #tpu.memory_space<hbm>>
      tpu.wait_dma2 semaphore(%arg11 : memref<!tpu.dma_semaphore, #tpu.memory_space<semaphore_mem>>) src(%dma_wait3A_116 : memref<64x512xf32, #tpu.memory_space<hbm>>) dst(%arg8 : memref<64x512xf32, #tpu.memory_space<vmem>>)
      %add3A_117 = arith.constant 2 : i32
      %add3A_118 = arith.addi %mul3A_64, %add3A_117 : i32
      %div3A_119 = arith.constant 2 : i32
      %div3A_120 = arith.divsi %add3A_118, %div3A_119 : i32
      %mul3A_121 = arith.constant 2 : i32
      %mul3A_122 = arith.muli %mul3A_121, %div3A_120 : i32
      %sub3A_123 = arith.subi %add3A_118, %mul3A_122 : i32
      %mul3A_124 = arith.constant 4096 : i32
      %mul3A_125 = arith.muli %div3A_120, %mul3A_124 : i32
      %add3A_126 = arith.addi %mul3A_125, %mul3A_2 : i32
      %mul3A_127 = arith.constant 64 : i32
      %mul3A_128 = arith.muli %sub3A_123, %mul3A_127 : i32
      %add3A_129 = arith.addi %add3A_126, %mul3A_128 : i32
      %dma_start3A_130 = arith.constant 0 : i32
      %dma_start3A_131 = tpu.memref_slice %arg4[%add3A_129, %dma_start3A_130] : memref<315392x512xf32, #tpu.memory_space<hbm>> -> memref<64x512xf32, #tpu.memory_space<hbm>>
      %dma_start3A_132 = arith.constant 0 : i32
      %dma_start3A_133 = tpu.memref_slice %arg4[%add3A_129, %dma_start3A_132] : memref<315392x512xf32, #tpu.memory_space<hbm>> -> memref<64x512xf32, #tpu.memory_space<hbm>>
      tpu.enqueue_dma source(%arg8 : memref<64x512xf32, #tpu.memory_space<vmem>>) target(%dma_start3A_133 : memref<64x512xf32, #tpu.memory_space<hbm>>) target_semaphore(%arg14 : memref<!tpu.dma_semaphore, #tpu.memory_space<semaphore_mem>>)
      %dma_wait3A_134 = arith.constant 0 : i32
      %dma_wait3A_135 = arith.constant 0 : i32
      %dma_wait3A_136 = tpu.memref_slice %arg4[%dma_wait3A_134, %dma_wait3A_135] : memref<315392x512xf32, #tpu.memory_space<hbm>> -> memref<64x512xf32, #tpu.memory_space<hbm>>
      %dma_wait3A_137 = arith.constant 0 : i32
      %dma_wait3A_138 = arith.constant 0 : i32
      %dma_wait3A_139 = tpu.memref_slice %arg4[%dma_wait3A_137, %dma_wait3A_138] : memref<315392x512xf32, #tpu.memory_space<hbm>> -> memref<64x512xf32, #tpu.memory_space<hbm>>
      tpu.wait_dma2 semaphore(%arg12 : memref<!tpu.dma_semaphore, #tpu.memory_space<semaphore_mem>>) src(%arg6 : memref<64x512xf32, #tpu.memory_space<vmem>>) dst(%dma_wait3A_139 : memref<64x512xf32, #tpu.memory_space<hbm>>)
      %add3A_140 = arith.constant 3 : i32
      %add3A_141 = arith.addi %mul3A_64, %add3A_140 : i32
      %add3A_142 = arith.constant 0 : i32
      %add3A_143 = arith.addi %add3A_141, %add3A_142 : i32
      %rem3A = arith.constant 154 : i32
      %rem3A_144 = arith.remsi %add3A_143, %rem3A : i32
      %mul3A_145 = arith.constant 64 : i32
      %mul3A_146 = arith.muli %rem3A_144, %mul3A_145 : i32
      %dma_start3A_147 = tpu.memref_slice %arg5[%mul3A_146] : memref<9856xi32, #tpu.memory_space<vmem>> -> memref<64xi32, #tpu.memory_space<vmem>>
      %dma_start3A_148 = arith.constant 0 : i32
      %dma_start3A_149 = arith.constant 0 : i32
      %dma_start3A_150 = tpu.memref_slice %arg2[%dma_start3A_148, %dma_start3A_149] : memref<77000x512xf32, #tpu.memory_space<hbm>> -> memref<77000x512xf32, #tpu.memory_space<hbm>>
      tpu.enqueue_indirect_dma source(%dma_start3A_150 : memref<77000x512xf32, #tpu.memory_space<hbm>>) target(%arg6 : memref<64x512xf32, #tpu.memory_space<vmem>>) offsets(%dma_start3A_147 : memref<64xi32, #tpu.memory_space<vmem>>) semaphore(%arg9 : memref<!tpu.dma_semaphore, #tpu.memory_space<semaphore_mem>>)
      %dma_wait3A_151 = arith.constant 0 : i32
      %dma_wait3A_152 = arith.constant 0 : i32
      %dma_wait3A_153 = tpu.memref_slice %arg4[%dma_wait3A_151, %dma_wait3A_152] : memref<315392x512xf32, #tpu.memory_space<hbm>> -> memref<64x512xf32, #tpu.memory_space<hbm>>
      %dma_wait3A_154 = arith.constant 0 : i32
      %dma_wait3A_155 = arith.constant 0 : i32
      %dma_wait3A_156 = tpu.memref_slice %arg4[%dma_wait3A_154, %dma_wait3A_155] : memref<315392x512xf32, #tpu.memory_space<hbm>> -> memref<64x512xf32, #tpu.memory_space<hbm>>
      tpu.wait_dma2 semaphore(%arg13 : memref<!tpu.dma_semaphore, #tpu.memory_space<semaphore_mem>>) src(%arg7 : memref<64x512xf32, #tpu.memory_space<vmem>>) dst(%dma_wait3A_156 : memref<64x512xf32, #tpu.memory_space<hbm>>)
      %add3A_157 = arith.constant 3 : i32
      %add3A_158 = arith.addi %mul3A_64, %add3A_157 : i32
      %add3A_159 = arith.constant 1 : i32
      %add3A_160 = arith.addi %add3A_158, %add3A_159 : i32
      %rem3A_161 = arith.constant 154 : i32
      %rem3A_162 = arith.remsi %add3A_160, %rem3A_161 : i32
      %mul3A_163 = arith.constant 64 : i32
      %mul3A_164 = arith.muli %rem3A_162, %mul3A_163 : i32
      %dma_start3A_165 = tpu.memref_slice %arg5[%mul3A_164] : memref<9856xi32, #tpu.memory_space<vmem>> -> memref<64xi32, #tpu.memory_space<vmem>>
      %dma_start3A_166 = arith.constant 0 : i32
      %dma_start3A_167 = arith.constant 0 : i32
      %dma_start3A_168 = tpu.memref_slice %arg2[%dma_start3A_166, %dma_start3A_167] : memref<77000x512xf32, #tpu.memory_space<hbm>> -> memref<77000x512xf32, #tpu.memory_space<hbm>>
      tpu.enqueue_indirect_dma source(%dma_start3A_168 : memref<77000x512xf32, #tpu.memory_space<hbm>>) target(%arg7 : memref<64x512xf32, #tpu.memory_space<vmem>>) offsets(%dma_start3A_165 : memref<64xi32, #tpu.memory_space<vmem>>) semaphore(%arg10 : memref<!tpu.dma_semaphore, #tpu.memory_space<semaphore_mem>>)
      %dma_wait3A_169 = arith.constant 0 : i32
      %dma_wait3A_170 = arith.constant 0 : i32
      %dma_wait3A_171 = tpu.memref_slice %arg4[%dma_wait3A_169, %dma_wait3A_170] : memref<315392x512xf32, #tpu.memory_space<hbm>> -> memref<64x512xf32, #tpu.memory_space<hbm>>
      %dma_wait3A_172 = arith.constant 0 : i32
      %dma_wait3A_173 = arith.constant 0 : i32
      %dma_wait3A_174 = tpu.memref_slice %arg4[%dma_wait3A_172, %dma_wait3A_173] : memref<315392x512xf32, #tpu.memory_space<hbm>> -> memref<64x512xf32, #tpu.memory_space<hbm>>
      tpu.wait_dma2 semaphore(%arg14 : memref<!tpu.dma_semaphore, #tpu.memory_space<semaphore_mem>>) src(%arg8 : memref<64x512xf32, #tpu.memory_space<vmem>>) dst(%dma_wait3A_174 : memref<64x512xf32, #tpu.memory_space<hbm>>)
      %add3A_175 = arith.constant 3 : i32
      %add3A_176 = arith.addi %mul3A_64, %add3A_175 : i32
      %add3A_177 = arith.constant 2 : i32
      %add3A_178 = arith.addi %add3A_176, %add3A_177 : i32
      %rem3A_179 = arith.constant 154 : i32
      %rem3A_180 = arith.remsi %add3A_178, %rem3A_179 : i32
      %mul3A_181 = arith.constant 64 : i32
      %mul3A_182 = arith.muli %rem3A_180, %mul3A_181 : i32
      %dma_start3A_183 = tpu.memref_slice %arg5[%mul3A_182] : memref<9856xi32, #tpu.memory_space<vmem>> -> memref<64xi32, #tpu.memory_space<vmem>>
      %dma_start3A_184 = arith.constant 0 : i32
      %dma_start3A_185 = arith.constant 0 : i32
      %dma_start3A_186 = tpu.memref_slice %arg2[%dma_start3A_184, %dma_start3A_185] : memref<77000x512xf32, #tpu.memory_space<hbm>> -> memref<77000x512xf32, #tpu.memory_space<hbm>>
      tpu.enqueue_indirect_dma source(%dma_start3A_186 : memref<77000x512xf32, #tpu.memory_space<hbm>>) target(%arg8 : memref<64x512xf32, #tpu.memory_space<vmem>>) offsets(%dma_start3A_183 : memref<64xi32, #tpu.memory_space<vmem>>) semaphore(%arg11 : memref<!tpu.dma_semaphore, #tpu.memory_space<semaphore_mem>>)
    }
    %scan3A_23 = arith.constant 51 : i32
    %dma_wait3A = arith.constant 0 : i32
    %dma_wait3A_24 = arith.constant 0 : i32
    %dma_wait3A_25 = tpu.memref_slice %arg2[%dma_wait3A, %dma_wait3A_24] : memref<77000x512xf32, #tpu.memory_space<hbm>> -> memref<64x512xf32, #tpu.memory_space<hbm>>
    %dma_wait3A_26 = arith.constant 0 : i32
    %dma_wait3A_27 = arith.constant 0 : i32
    %dma_wait3A_28 = tpu.memref_slice %arg2[%dma_wait3A_26, %dma_wait3A_27] : memref<77000x512xf32, #tpu.memory_space<hbm>> -> memref<64x512xf32, #tpu.memory_space<hbm>>
    tpu.wait_dma2 semaphore(%arg9 : memref<!tpu.dma_semaphore, #tpu.memory_space<semaphore_mem>>) src(%dma_wait3A_28 : memref<64x512xf32, #tpu.memory_space<hbm>>) dst(%arg6 : memref<64x512xf32, #tpu.memory_space<vmem>>)
    %div3A = arith.constant 153 : i32
    %div3A_29 = arith.constant 2 : i32
    %div3A_30 = arith.divsi %div3A, %div3A_29 : i32
    %mul3A_31 = arith.constant 2 : i32
    %mul3A_32 = arith.muli %mul3A_31, %div3A_30 : i32
    %sub3A = arith.constant 153 : i32
    %sub3A_33 = arith.subi %sub3A, %mul3A_32 : i32
    %mul3A_34 = arith.constant 4096 : i32
    %mul3A_35 = arith.muli %div3A_30, %mul3A_34 : i32
    %add3A_36 = arith.addi %mul3A_35, %mul3A_2 : i32
    %mul3A_37 = arith.constant 64 : i32
    %mul3A_38 = arith.muli %sub3A_33, %mul3A_37 : i32
    %add3A_39 = arith.addi %add3A_36, %mul3A_38 : i32
    %dma_start3A_40 = arith.constant 0 : i32
    %dma_start3A_41 = tpu.memref_slice %arg4[%add3A_39, %dma_start3A_40] : memref<315392x512xf32, #tpu.memory_space<hbm>> -> memref<64x512xf32, #tpu.memory_space<hbm>>
    %dma_start3A_42 = arith.constant 0 : i32
    %dma_start3A_43 = tpu.memref_slice %arg4[%add3A_39, %dma_start3A_42] : memref<315392x512xf32, #tpu.memory_space<hbm>> -> memref<64x512xf32, #tpu.memory_space<hbm>>
    tpu.enqueue_dma source(%arg6 : memref<64x512xf32, #tpu.memory_space<vmem>>) target(%dma_start3A_43 : memref<64x512xf32, #tpu.memory_space<hbm>>) target_semaphore(%arg12 : memref<!tpu.dma_semaphore, #tpu.memory_space<semaphore_mem>>)
    %dma_wait3A_44 = arith.constant 0 : i32
    %dma_wait3A_45 = arith.constant 0 : i32
    %dma_wait3A_46 = tpu.memref_slice %arg4[%dma_wait3A_44, %dma_wait3A_45] : memref<315392x512xf32, #tpu.memory_space<hbm>> -> memref<64x512xf32, #tpu.memory_space<hbm>>
    %dma_wait3A_47 = arith.constant 0 : i32
    %dma_wait3A_48 = arith.constant 0 : i32
    %dma_wait3A_49 = tpu.memref_slice %arg4[%dma_wait3A_47, %dma_wait3A_48] : memref<315392x512xf32, #tpu.memory_space<hbm>> -> memref<64x512xf32, #tpu.memory_space<hbm>>
    tpu.wait_dma2 semaphore(%arg12 : memref<!tpu.dma_semaphore, #tpu.memory_space<semaphore_mem>>) src(%arg6 : memref<64x512xf32, #tpu.memory_space<vmem>>) dst(%dma_wait3A_49 : memref<64x512xf32, #tpu.memory_space<hbm>>)
    %dma_wait3A_50 = arith.constant 0 : i32
    %dma_wait3A_51 = arith.constant 0 : i32
    %dma_wait3A_52 = tpu.memref_slice %arg2[%dma_wait3A_50, %dma_wait3A_51] : memref<77000x512xf32, #tpu.memory_space<hbm>> -> memref<64x512xf32, #tpu.memory_space<hbm>>
    %dma_wait3A_53 = arith.constant 0 : i32
    %dma_wait3A_54 = arith.constant 0 : i32
    %dma_wait3A_55 = tpu.memref_slice %arg2[%dma_wait3A_53, %dma_wait3A_54] : memref<77000x512xf32, #tpu.memory_space<hbm>> -> memref<64x512xf32, #tpu.memory_space<hbm>>
    tpu.wait_dma2 semaphore(%arg10 : memref<!tpu.dma_semaphore, #tpu.memory_space<semaphore_mem>>) src(%dma_wait3A_55 : memref<64x512xf32, #tpu.memory_space<hbm>>) dst(%arg7 : memref<64x512xf32, #tpu.memory_space<vmem>>)
    %dma_wait3A_56 = arith.constant 0 : i32
    %dma_wait3A_57 = arith.constant 0 : i32
    %dma_wait3A_58 = tpu.memref_slice %arg2[%dma_wait3A_56, %dma_wait3A_57] : memref<77000x512xf32, #tpu.memory_space<hbm>> -> memref<64x512xf32, #tpu.memory_space<hbm>>
    %dma_wait3A_59 = arith.constant 0 : i32
    %dma_wait3A_60 = arith.constant 0 : i32
    %dma_wait3A_61 = tpu.memref_slice %arg2[%dma_wait3A_59, %dma_wait3A_60] : memref<77000x512xf32, #tpu.memory_space<hbm>> -> memref<64x512xf32, #tpu.memory_space<hbm>>
    tpu.wait_dma2 semaphore(%arg11 : memref<!tpu.dma_semaphore, #tpu.memory_space<semaphore_mem>>) src(%dma_wait3A_61 : memref<64x512xf32, #tpu.memory_space<hbm>>) dst(%arg8 : memref<64x512xf32, #tpu.memory_space<vmem>>)
    return
  }
}

module attributes {stable_mosaic.version = 14 : i64} {
  func.func @_table_body(%arg0: i32, %arg1: memref<40x1x512xf32, #tpu.memory_space<vmem>>, %arg2: memref<60x40x512xf32, #tpu.memory_space<vmem>>, %arg3: memref<16x512xf32, #tpu.memory_space<vmem>>, %arg4: memref<3080x512xf32, #tpu.memory_space<vmem>>) attributes {dimension_semantics = [#tpu.dimension_semantics<arbitrary>], iteration_bounds = array<i64: 25>, scalar_prefetch = 0 : i64, scratch_operands = 0 : i64, tpu.core_type = #tpu.core_type<tc>, window_params = [{transform_indices = @transform_0, window_bounds = array<i64: 40, 1, 512>}, {transform_indices = @transform_1, window_bounds = array<i64: 60, 40, 512>}, {pipeline_mode = #tpu.pipeline_mode<synchronous>, transform_indices = @transform_2, window_bounds = array<i64: 16, 512>}, {transform_indices = @transform_3, window_bounds = array<i64: 3080, 512>}]} {
    %get3A = arith.constant 0 : index
    %get3A_0 = arith.constant 0 : index
    %get3A_1 = arith.constant 0 : index
    %get3A_2 = vector.load %arg1[%get3A, %get3A_0, %get3A_1] : memref<40x1x512xf32, #tpu.memory_space<vmem>>, vector<1x1x512xf32>
    %get3A_3 = vector.shape_cast %get3A_2 : vector<1x1x512xf32> to vector<1x512xf32>
    %swap3A = arith.constant 0 : index
    %swap3A_4 = arith.constant 0 : index
    %swap3A_5 = vector.load %arg4[%swap3A, %swap3A_4] : memref<3080x512xf32, #tpu.memory_space<vmem>>, vector<1x512xf32>
    tpu.vector_store %arg4[%swap3A, %swap3A_4], %get3A_3 {strides = array<i32>} : memref<3080x512xf32, #tpu.memory_space<vmem>>, vector<1x512xf32>,
    %get3A_6 = arith.constant 0 : index
    %get3A_7 = arith.constant 0 : index
    %get3A_8 = vector.load %arg3[%get3A_6, %get3A_7] : memref<16x512xf32, #tpu.memory_space<vmem>>, vector<16x512xf32>
    %swap3A_9 = arith.constant 1 : index
    %swap3A_10 = arith.constant 0 : index
    %swap3A_11 = vector.load %arg4[%swap3A_9, %swap3A_10] : memref<3080x512xf32, #tpu.memory_space<vmem>>, vector<16x512xf32>
    tpu.vector_store %arg4[%swap3A_9, %swap3A_10], %get3A_8 {strides = array<i32>} : memref<3080x512xf32, #tpu.memory_space<vmem>>, vector<16x512xf32>,
    %get3A_12 = arith.constant 0 : index
    %get3A_13 = arith.constant 0 : index
    %get3A_14 = arith.constant 0 : index
    %get3A_15 = vector.load %arg2[%get3A_12, %get3A_13, %get3A_14] : memref<60x40x512xf32, #tpu.memory_space<vmem>>, vector<60x1x512xf32>
    %get3A_16 = vector.shape_cast %get3A_15 : vector<60x1x512xf32> to vector<60x512xf32>
    %swap3A_17 = arith.constant 17 : index
    %swap3A_18 = arith.constant 0 : index
    %swap3A_19 = vector.load %arg4[%swap3A_17, %swap3A_18] : memref<3080x512xf32, #tpu.memory_space<vmem>>, vector<60x512xf32>
    tpu.vector_store %arg4[%swap3A_17, %swap3A_18], %get3A_16 {strides = array<i32>} : memref<3080x512xf32, #tpu.memory_space<vmem>>, vector<60x512xf32>,
    %get3A_20 = arith.constant 1 : index
    %get3A_21 = arith.constant 0 : index
    %get3A_22 = arith.constant 0 : index
    %get3A_23 = vector.load %arg1[%get3A_20, %get3A_21, %get3A_22] : memref<40x1x512xf32, #tpu.memory_space<vmem>>, vector<1x1x512xf32>
    %get3A_24 = vector.shape_cast %get3A_23 : vector<1x1x512xf32> to vector<1x512xf32>
    %swap3A_25 = arith.constant 77 : index
    %swap3A_26 = arith.constant 0 : index
    %swap3A_27 = vector.load %arg4[%swap3A_25, %swap3A_26] : memref<3080x512xf32, #tpu.memory_space<vmem>>, vector<1x512xf32>
    tpu.vector_store %arg4[%swap3A_25, %swap3A_26], %get3A_24 {strides = array<i32>} : memref<3080x512xf32, #tpu.memory_space<vmem>>, vector<1x512xf32>,
    %get3A_28 = arith.constant 0 : index
    %get3A_29 = arith.constant 0 : index
    %get3A_30 = vector.load %arg3[%get3A_28, %get3A_29] : memref<16x512xf32, #tpu.memory_space<vmem>>, vector<16x512xf32>
    %swap3A_31 = arith.constant 78 : index
    %swap3A_32 = arith.constant 0 : index
    %swap3A_33 = vector.load %arg4[%swap3A_31, %swap3A_32] : memref<3080x512xf32, #tpu.memory_space<vmem>>, vector<16x512xf32>
    tpu.vector_store %arg4[%swap3A_31, %swap3A_32], %get3A_30 {strides = array<i32>} : memref<3080x512xf32, #tpu.memory_space<vmem>>, vector<16x512xf32>,
    %get3A_34 = arith.constant 0 : index
    %get3A_35 = arith.constant 1 : index
    %get3A_36 = arith.constant 0 : index
    %get3A_37 = vector.load %arg2[%get3A_34, %get3A_35, %get3A_36] : memref<60x40x512xf32, #tpu.memory_space<vmem>>, vector<60x1x512xf32>
    %get3A_38 = vector.shape_cast %get3A_37 : vector<60x1x512xf32> to vector<60x512xf32>
    %swap3A_39 = arith.constant 94 : index
    %swap3A_40 = arith.constant 0 : index
    %swap3A_41 = vector.load %arg4[%swap3A_39, %swap3A_40] : memref<3080x512xf32, #tpu.memory_space<vmem>>, vector<60x512xf32>
    tpu.vector_store %arg4[%swap3A_39, %swap3A_40], %get3A_38 {strides = array<i32>} : memref<3080x512xf32, #tpu.memory_space<vmem>>, vector<60x512xf32>,
    %get3A_42 = arith.constant 2 : index
    %get3A_43 = arith.constant 0 : index
    %get3A_44 = arith.constant 0 : index
    %get3A_45 = vector.load %arg1[%get3A_42, %get3A_43, %get3A_44] : memref<40x1x512xf32, #tpu.memory_space<vmem>>, vector<1x1x512xf32>
    %get3A_46 = vector.shape_cast %get3A_45 : vector<1x1x512xf32> to vector<1x512xf32>
    %swap3A_47 = arith.constant 154 : index
    %swap3A_48 = arith.constant 0 : index
    %swap3A_49 = vector.load %arg4[%swap3A_47, %swap3A_48] : memref<3080x512xf32, #tpu.memory_space<vmem>>, vector<1x512xf32>
    tpu.vector_store %arg4[%swap3A_47, %swap3A_48], %get3A_46 {strides = array<i32>} : memref<3080x512xf32, #tpu.memory_space<vmem>>, vector<1x512xf32>,
    %get3A_50 = arith.constant 0 : index
    %get3A_51 = arith.constant 0 : index
    %get3A_52 = vector.load %arg3[%get3A_50, %get3A_51] : memref<16x512xf32, #tpu.memory_space<vmem>>, vector<16x512xf32>
    %swap3A_53 = arith.constant 155 : index
    %swap3A_54 = arith.constant 0 : index
    %swap3A_55 = vector.load %arg4[%swap3A_53, %swap3A_54] : memref<3080x512xf32, #tpu.memory_space<vmem>>, vector<16x512xf32>
    tpu.vector_store %arg4[%swap3A_53, %swap3A_54], %get3A_52 {strides = array<i32>} : memref<3080x512xf32, #tpu.memory_space<vmem>>, vector<16x512xf32>,
    %get3A_56 = arith.constant 0 : index
    %get3A_57 = arith.constant 2 : index
    %get3A_58 = arith.constant 0 : index
    %get3A_59 = vector.load %arg2[%get3A_56, %get3A_57, %get3A_58] : memref<60x40x512xf32, #tpu.memory_space<vmem>>, vector<60x1x512xf32>
    %get3A_60 = vector.shape_cast %get3A_59 : vector<60x1x512xf32> to vector<60x512xf32>
    %swap3A_61 = arith.constant 171 : index
    %swap3A_62 = arith.constant 0 : index
    %swap3A_63 = vector.load %arg4[%swap3A_61, %swap3A_62] : memref<3080x512xf32, #tpu.memory_space<vmem>>, vector<60x512xf32>
    tpu.vector_store %arg4[%swap3A_61, %swap3A_62], %get3A_60 {strides = array<i32>} : memref<3080x512xf32, #tpu.memory_space<vmem>>, vector<60x512xf32>,
    %get3A_64 = arith.constant 3 : index
    %get3A_65 = arith.constant 0 : index
    %get3A_66 = arith.constant 0 : index
    %get3A_67 = vector.load %arg1[%get3A_64, %get3A_65, %get3A_66] : memref<40x1x512xf32, #tpu.memory_space<vmem>>, vector<1x1x512xf32>
    %get3A_68 = vector.shape_cast %get3A_67 : vector<1x1x512xf32> to vector<1x512xf32>
    %swap3A_69 = arith.constant 231 : index
    %swap3A_70 = arith.constant 0 : index
    %swap3A_71 = vector.load %arg4[%swap3A_69, %swap3A_70] : memref<3080x512xf32, #tpu.memory_space<vmem>>, vector<1x512xf32>
    tpu.vector_store %arg4[%swap3A_69, %swap3A_70], %get3A_68 {strides = array<i32>} : memref<3080x512xf32, #tpu.memory_space<vmem>>, vector<1x512xf32>,
    %get3A_72 = arith.constant 0 : index
    %get3A_73 = arith.constant 0 : index
    %get3A_74 = vector.load %arg3[%get3A_72, %get3A_73] : memref<16x512xf32, #tpu.memory_space<vmem>>, vector<16x512xf32>
    %swap3A_75 = arith.constant 232 : index
    %swap3A_76 = arith.constant 0 : index
    %swap3A_77 = vector.load %arg4[%swap3A_75, %swap3A_76] : memref<3080x512xf32, #tpu.memory_space<vmem>>, vector<16x512xf32>
    tpu.vector_store %arg4[%swap3A_75, %swap3A_76], %get3A_74 {strides = array<i32>} : memref<3080x512xf32, #tpu.memory_space<vmem>>, vector<16x512xf32>,
    %get3A_78 = arith.constant 0 : index
    %get3A_79 = arith.constant 3 : index
    %get3A_80 = arith.constant 0 : index
    %get3A_81 = vector.load %arg2[%get3A_78, %get3A_79, %get3A_80] : memref<60x40x512xf32, #tpu.memory_space<vmem>>, vector<60x1x512xf32>
    %get3A_82 = vector.shape_cast %get3A_81 : vector<60x1x512xf32> to vector<60x512xf32>
    %swap3A_83 = arith.constant 248 : index
    %swap3A_84 = arith.constant 0 : index
    %swap3A_85 = vector.load %arg4[%swap3A_83, %swap3A_84] : memref<3080x512xf32, #tpu.memory_space<vmem>>, vector<60x512xf32>
    tpu.vector_store %arg4[%swap3A_83, %swap3A_84], %get3A_82 {strides = array<i32>} : memref<3080x512xf32, #tpu.memory_space<vmem>>, vector<60x512xf32>,
    %get3A_86 = arith.constant 4 : index
    %get3A_87 = arith.constant 0 : index
    %get3A_88 = arith.constant 0 : index
    %get3A_89 = vector.load %arg1[%get3A_86, %get3A_87, %get3A_88] : memref<40x1x512xf32, #tpu.memory_space<vmem>>, vector<1x1x512xf32>
    %get3A_90 = vector.shape_cast %get3A_89 : vector<1x1x512xf32> to vector<1x512xf32>
    %swap3A_91 = arith.constant 308 : index
    %swap3A_92 = arith.constant 0 : index
    %swap3A_93 = vector.load %arg4[%swap3A_91, %swap3A_92] : memref<3080x512xf32, #tpu.memory_space<vmem>>, vector<1x512xf32>
    tpu.vector_store %arg4[%swap3A_91, %swap3A_92], %get3A_90 {strides = array<i32>} : memref<3080x512xf32, #tpu.memory_space<vmem>>, vector<1x512xf32>,
    %get3A_94 = arith.constant 0 : index
    %get3A_95 = arith.constant 0 : index
    %get3A_96 = vector.load %arg3[%get3A_94, %get3A_95] : memref<16x512xf32, #tpu.memory_space<vmem>>, vector<16x512xf32>
    %swap3A_97 = arith.constant 309 : index
    %swap3A_98 = arith.constant 0 : index
    %swap3A_99 = vector.load %arg4[%swap3A_97, %swap3A_98] : memref<3080x512xf32, #tpu.memory_space<vmem>>, vector<16x512xf32>
    tpu.vector_store %arg4[%swap3A_97, %swap3A_98], %get3A_96 {strides = array<i32>} : memref<3080x512xf32, #tpu.memory_space<vmem>>, vector<16x512xf32>,
    %get3A_100 = arith.constant 0 : index
    %get3A_101 = arith.constant 4 : index
    %get3A_102 = arith.constant 0 : index
    %get3A_103 = vector.load %arg2[%get3A_100, %get3A_101, %get3A_102] : memref<60x40x512xf32, #tpu.memory_space<vmem>>, vector<60x1x512xf32>
    %get3A_104 = vector.shape_cast %get3A_103 : vector<60x1x512xf32> to vector<60x512xf32>
    %swap3A_105 = arith.constant 325 : index
    %swap3A_106 = arith.constant 0 : index
    %swap3A_107 = vector.load %arg4[%swap3A_105, %swap3A_106] : memref<3080x512xf32, #tpu.memory_space<vmem>>, vector<60x512xf32>
    tpu.vector_store %arg4[%swap3A_105, %swap3A_106], %get3A_104 {strides = array<i32>} : memref<3080x512xf32, #tpu.memory_space<vmem>>, vector<60x512xf32>,
    %get3A_108 = arith.constant 5 : index
    %get3A_109 = arith.constant 0 : index
    %get3A_110 = arith.constant 0 : index
    %get3A_111 = vector.load %arg1[%get3A_108, %get3A_109, %get3A_110] : memref<40x1x512xf32, #tpu.memory_space<vmem>>, vector<1x1x512xf32>
    %get3A_112 = vector.shape_cast %get3A_111 : vector<1x1x512xf32> to vector<1x512xf32>
    %swap3A_113 = arith.constant 385 : index
    %swap3A_114 = arith.constant 0 : index
    %swap3A_115 = vector.load %arg4[%swap3A_113, %swap3A_114] : memref<3080x512xf32, #tpu.memory_space<vmem>>, vector<1x512xf32>
    tpu.vector_store %arg4[%swap3A_113, %swap3A_114], %get3A_112 {strides = array<i32>} : memref<3080x512xf32, #tpu.memory_space<vmem>>, vector<1x512xf32>,
    %get3A_116 = arith.constant 0 : index
    %get3A_117 = arith.constant 0 : index
    %get3A_118 = vector.load %arg3[%get3A_116, %get3A_117] : memref<16x512xf32, #tpu.memory_space<vmem>>, vector<16x512xf32>
    %swap3A_119 = arith.constant 386 : index
    %swap3A_120 = arith.constant 0 : index
    %swap3A_121 = vector.load %arg4[%swap3A_119, %swap3A_120] : memref<3080x512xf32, #tpu.memory_space<vmem>>, vector<16x512xf32>
    tpu.vector_store %arg4[%swap3A_119, %swap3A_120], %get3A_118 {strides = array<i32>} : memref<3080x512xf32, #tpu.memory_space<vmem>>, vector<16x512xf32>,
    %get3A_122 = arith.constant 0 : index
    %get3A_123 = arith.constant 5 : index
    %get3A_124 = arith.constant 0 : index
    %get3A_125 = vector.load %arg2[%get3A_122, %get3A_123, %get3A_124] : memref<60x40x512xf32, #tpu.memory_space<vmem>>, vector<60x1x512xf32>
    %get3A_126 = vector.shape_cast %get3A_125 : vector<60x1x512xf32> to vector<60x512xf32>
    %swap3A_127 = arith.constant 402 : index
    %swap3A_128 = arith.constant 0 : index
    %swap3A_129 = vector.load %arg4[%swap3A_127, %swap3A_128] : memref<3080x512xf32, #tpu.memory_space<vmem>>, vector<60x512xf32>
    tpu.vector_store %arg4[%swap3A_127, %swap3A_128], %get3A_126 {strides = array<i32>} : memref<3080x512xf32, #tpu.memory_space<vmem>>, vector<60x512xf32>,
    %get3A_130 = arith.constant 6 : index
    %get3A_131 = arith.constant 0 : index
    %get3A_132 = arith.constant 0 : index
    %get3A_133 = vector.load %arg1[%get3A_130, %get3A_131, %get3A_132] : memref<40x1x512xf32, #tpu.memory_space<vmem>>, vector<1x1x512xf32>
    %get3A_134 = vector.shape_cast %get3A_133 : vector<1x1x512xf32> to vector<1x512xf32>
    %swap3A_135 = arith.constant 462 : index
    %swap3A_136 = arith.constant 0 : index
    %swap3A_137 = vector.load %arg4[%swap3A_135, %swap3A_136] : memref<3080x512xf32, #tpu.memory_space<vmem>>, vector<1x512xf32>
    tpu.vector_store %arg4[%swap3A_135, %swap3A_136], %get3A_134 {strides = array<i32>} : memref<3080x512xf32, #tpu.memory_space<vmem>>, vector<1x512xf32>,
    %get3A_138 = arith.constant 0 : index
    %get3A_139 = arith.constant 0 : index
    %get3A_140 = vector.load %arg3[%get3A_138, %get3A_139] : memref<16x512xf32, #tpu.memory_space<vmem>>, vector<16x512xf32>
    %swap3A_141 = arith.constant 463 : index
    %swap3A_142 = arith.constant 0 : index
    %swap3A_143 = vector.load %arg4[%swap3A_141, %swap3A_142] : memref<3080x512xf32, #tpu.memory_space<vmem>>, vector<16x512xf32>
    tpu.vector_store %arg4[%swap3A_141, %swap3A_142], %get3A_140 {strides = array<i32>} : memref<3080x512xf32, #tpu.memory_space<vmem>>, vector<16x512xf32>,
    %get3A_144 = arith.constant 0 : index
    %get3A_145 = arith.constant 6 : index
    %get3A_146 = arith.constant 0 : index
    %get3A_147 = vector.load %arg2[%get3A_144, %get3A_145, %get3A_146] : memref<60x40x512xf32, #tpu.memory_space<vmem>>, vector<60x1x512xf32>
    %get3A_148 = vector.shape_cast %get3A_147 : vector<60x1x512xf32> to vector<60x512xf32>
    %swap3A_149 = arith.constant 479 : index
    %swap3A_150 = arith.constant 0 : index
    %swap3A_151 = vector.load %arg4[%swap3A_149, %swap3A_150] : memref<3080x512xf32, #tpu.memory_space<vmem>>, vector<60x512xf32>
    tpu.vector_store %arg4[%swap3A_149, %swap3A_150], %get3A_148 {strides = array<i32>} : memref<3080x512xf32, #tpu.memory_space<vmem>>, vector<60x512xf32>,
    %get3A_152 = arith.constant 7 : index
    %get3A_153 = arith.constant 0 : index
    %get3A_154 = arith.constant 0 : index
    %get3A_155 = vector.load %arg1[%get3A_152, %get3A_153, %get3A_154] : memref<40x1x512xf32, #tpu.memory_space<vmem>>, vector<1x1x512xf32>
    %get3A_156 = vector.shape_cast %get3A_155 : vector<1x1x512xf32> to vector<1x512xf32>
    %swap3A_157 = arith.constant 539 : index
    %swap3A_158 = arith.constant 0 : index
    %swap3A_159 = vector.load %arg4[%swap3A_157, %swap3A_158] : memref<3080x512xf32, #tpu.memory_space<vmem>>, vector<1x512xf32>
    tpu.vector_store %arg4[%swap3A_157, %swap3A_158], %get3A_156 {strides = array<i32>} : memref<3080x512xf32, #tpu.memory_space<vmem>>, vector<1x512xf32>,
    %get3A_160 = arith.constant 0 : index
    %get3A_161 = arith.constant 0 : index
    %get3A_162 = vector.load %arg3[%get3A_160, %get3A_161] : memref<16x512xf32, #tpu.memory_space<vmem>>, vector<16x512xf32>
    %swap3A_163 = arith.constant 540 : index
    %swap3A_164 = arith.constant 0 : index
    %swap3A_165 = vector.load %arg4[%swap3A_163, %swap3A_164] : memref<3080x512xf32, #tpu.memory_space<vmem>>, vector<16x512xf32>
    tpu.vector_store %arg4[%swap3A_163, %swap3A_164], %get3A_162 {strides = array<i32>} : memref<3080x512xf32, #tpu.memory_space<vmem>>, vector<16x512xf32>,
    %get3A_166 = arith.constant 0 : index
    %get3A_167 = arith.constant 7 : index
    %get3A_168 = arith.constant 0 : index
    %get3A_169 = vector.load %arg2[%get3A_166, %get3A_167, %get3A_168] : memref<60x40x512xf32, #tpu.memory_space<vmem>>, vector<60x1x512xf32>
    %get3A_170 = vector.shape_cast %get3A_169 : vector<60x1x512xf32> to vector<60x512xf32>
    %swap3A_171 = arith.constant 556 : index
    %swap3A_172 = arith.constant 0 : index
    %swap3A_173 = vector.load %arg4[%swap3A_171, %swap3A_172] : memref<3080x512xf32, #tpu.memory_space<vmem>>, vector<60x512xf32>
    tpu.vector_store %arg4[%swap3A_171, %swap3A_172], %get3A_170 {strides = array<i32>} : memref<3080x512xf32, #tpu.memory_space<vmem>>, vector<60x512xf32>,
    %get3A_174 = arith.constant 8 : index
    %get3A_175 = arith.constant 0 : index
    %get3A_176 = arith.constant 0 : index
    %get3A_177 = vector.load %arg1[%get3A_174, %get3A_175, %get3A_176] : memref<40x1x512xf32, #tpu.memory_space<vmem>>, vector<1x1x512xf32>
    %get3A_178 = vector.shape_cast %get3A_177 : vector<1x1x512xf32> to vector<1x512xf32>
    %swap3A_179 = arith.constant 616 : index
    %swap3A_180 = arith.constant 0 : index
    %swap3A_181 = vector.load %arg4[%swap3A_179, %swap3A_180] : memref<3080x512xf32, #tpu.memory_space<vmem>>, vector<1x512xf32>
    tpu.vector_store %arg4[%swap3A_179, %swap3A_180], %get3A_178 {strides = array<i32>} : memref<3080x512xf32, #tpu.memory_space<vmem>>, vector<1x512xf32>,
    %get3A_182 = arith.constant 0 : index
    %get3A_183 = arith.constant 0 : index
    %get3A_184 = vector.load %arg3[%get3A_182, %get3A_183] : memref<16x512xf32, #tpu.memory_space<vmem>>, vector<16x512xf32>
    %swap3A_185 = arith.constant 617 : index
    %swap3A_186 = arith.constant 0 : index
    %swap3A_187 = vector.load %arg4[%swap3A_185, %swap3A_186] : memref<3080x512xf32, #tpu.memory_space<vmem>>, vector<16x512xf32>
    tpu.vector_store %arg4[%swap3A_185, %swap3A_186], %get3A_184 {strides = array<i32>} : memref<3080x512xf32, #tpu.memory_space<vmem>>, vector<16x512xf32>,
    %get3A_188 = arith.constant 0 : index
    %get3A_189 = arith.constant 8 : index
    %get3A_190 = arith.constant 0 : index
    %get3A_191 = vector.load %arg2[%get3A_188, %get3A_189, %get3A_190] : memref<60x40x512xf32, #tpu.memory_space<vmem>>, vector<60x1x512xf32>
    %get3A_192 = vector.shape_cast %get3A_191 : vector<60x1x512xf32> to vector<60x512xf32>
    %swap3A_193 = arith.constant 633 : index
    %swap3A_194 = arith.constant 0 : index
    %swap3A_195 = vector.load %arg4[%swap3A_193, %swap3A_194] : memref<3080x512xf32, #tpu.memory_space<vmem>>, vector<60x512xf32>
    tpu.vector_store %arg4[%swap3A_193, %swap3A_194], %get3A_192 {strides = array<i32>} : memref<3080x512xf32, #tpu.memory_space<vmem>>, vector<60x512xf32>,
    %get3A_196 = arith.constant 9 : index
    %get3A_197 = arith.constant 0 : index
    %get3A_198 = arith.constant 0 : index
    %get3A_199 = vector.load %arg1[%get3A_196, %get3A_197, %get3A_198] : memref<40x1x512xf32, #tpu.memory_space<vmem>>, vector<1x1x512xf32>
    %get3A_200 = vector.shape_cast %get3A_199 : vector<1x1x512xf32> to vector<1x512xf32>
    %swap3A_201 = arith.constant 693 : index
    %swap3A_202 = arith.constant 0 : index
    %swap3A_203 = vector.load %arg4[%swap3A_201, %swap3A_202] : memref<3080x512xf32, #tpu.memory_space<vmem>>, vector<1x512xf32>
    tpu.vector_store %arg4[%swap3A_201, %swap3A_202], %get3A_200 {strides = array<i32>} : memref<3080x512xf32, #tpu.memory_space<vmem>>, vector<1x512xf32>,
    %get3A_204 = arith.constant 0 : index
    %get3A_205 = arith.constant 0 : index
    %get3A_206 = vector.load %arg3[%get3A_204, %get3A_205] : memref<16x512xf32, #tpu.memory_space<vmem>>, vector<16x512xf32>
    %swap3A_207 = arith.constant 694 : index
    %swap3A_208 = arith.constant 0 : index
    %swap3A_209 = vector.load %arg4[%swap3A_207, %swap3A_208] : memref<3080x512xf32, #tpu.memory_space<vmem>>, vector<16x512xf32>
    tpu.vector_store %arg4[%swap3A_207, %swap3A_208], %get3A_206 {strides = array<i32>} : memref<3080x512xf32, #tpu.memory_space<vmem>>, vector<16x512xf32>,
    %get3A_210 = arith.constant 0 : index
    %get3A_211 = arith.constant 9 : index
    %get3A_212 = arith.constant 0 : index
    %get3A_213 = vector.load %arg2[%get3A_210, %get3A_211, %get3A_212] : memref<60x40x512xf32, #tpu.memory_space<vmem>>, vector<60x1x512xf32>
    %get3A_214 = vector.shape_cast %get3A_213 : vector<60x1x512xf32> to vector<60x512xf32>
    %swap3A_215 = arith.constant 710 : index
    %swap3A_216 = arith.constant 0 : index
    %swap3A_217 = vector.load %arg4[%swap3A_215, %swap3A_216] : memref<3080x512xf32, #tpu.memory_space<vmem>>, vector<60x512xf32>
    tpu.vector_store %arg4[%swap3A_215, %swap3A_216], %get3A_214 {strides = array<i32>} : memref<3080x512xf32, #tpu.memory_space<vmem>>, vector<60x512xf32>,
    %get3A_218 = arith.constant 10 : index
    %get3A_219 = arith.constant 0 : index
    %get3A_220 = arith.constant 0 : index
    %get3A_221 = vector.load %arg1[%get3A_218, %get3A_219, %get3A_220] : memref<40x1x512xf32, #tpu.memory_space<vmem>>, vector<1x1x512xf32>
    %get3A_222 = vector.shape_cast %get3A_221 : vector<1x1x512xf32> to vector<1x512xf32>
    %swap3A_223 = arith.constant 770 : index
    %swap3A_224 = arith.constant 0 : index
    %swap3A_225 = vector.load %arg4[%swap3A_223, %swap3A_224] : memref<3080x512xf32, #tpu.memory_space<vmem>>, vector<1x512xf32>
    tpu.vector_store %arg4[%swap3A_223, %swap3A_224], %get3A_222 {strides = array<i32>} : memref<3080x512xf32, #tpu.memory_space<vmem>>, vector<1x512xf32>,
    %get3A_226 = arith.constant 0 : index
    %get3A_227 = arith.constant 0 : index
    %get3A_228 = vector.load %arg3[%get3A_226, %get3A_227] : memref<16x512xf32, #tpu.memory_space<vmem>>, vector<16x512xf32>
    %swap3A_229 = arith.constant 771 : index
    %swap3A_230 = arith.constant 0 : index
    %swap3A_231 = vector.load %arg4[%swap3A_229, %swap3A_230] : memref<3080x512xf32, #tpu.memory_space<vmem>>, vector<16x512xf32>
    tpu.vector_store %arg4[%swap3A_229, %swap3A_230], %get3A_228 {strides = array<i32>} : memref<3080x512xf32, #tpu.memory_space<vmem>>, vector<16x512xf32>,
    %get3A_232 = arith.constant 0 : index
    %get3A_233 = arith.constant 10 : index
    %get3A_234 = arith.constant 0 : index
    %get3A_235 = vector.load %arg2[%get3A_232, %get3A_233, %get3A_234] : memref<60x40x512xf32, #tpu.memory_space<vmem>>, vector<60x1x512xf32>
    %get3A_236 = vector.shape_cast %get3A_235 : vector<60x1x512xf32> to vector<60x512xf32>
    %swap3A_237 = arith.constant 787 : index
    %swap3A_238 = arith.constant 0 : index
    %swap3A_239 = vector.load %arg4[%swap3A_237, %swap3A_238] : memref<3080x512xf32, #tpu.memory_space<vmem>>, vector<60x512xf32>
    tpu.vector_store %arg4[%swap3A_237, %swap3A_238], %get3A_236 {strides = array<i32>} : memref<3080x512xf32, #tpu.memory_space<vmem>>, vector<60x512xf32>,
    %get3A_240 = arith.constant 11 : index
    %get3A_241 = arith.constant 0 : index
    %get3A_242 = arith.constant 0 : index
    %get3A_243 = vector.load %arg1[%get3A_240, %get3A_241, %get3A_242] : memref<40x1x512xf32, #tpu.memory_space<vmem>>, vector<1x1x512xf32>
    %get3A_244 = vector.shape_cast %get3A_243 : vector<1x1x512xf32> to vector<1x512xf32>
    %swap3A_245 = arith.constant 847 : index
    %swap3A_246 = arith.constant 0 : index
    %swap3A_247 = vector.load %arg4[%swap3A_245, %swap3A_246] : memref<3080x512xf32, #tpu.memory_space<vmem>>, vector<1x512xf32>
    tpu.vector_store %arg4[%swap3A_245, %swap3A_246], %get3A_244 {strides = array<i32>} : memref<3080x512xf32, #tpu.memory_space<vmem>>, vector<1x512xf32>,
    %get3A_248 = arith.constant 0 : index
    %get3A_249 = arith.constant 0 : index
    %get3A_250 = vector.load %arg3[%get3A_248, %get3A_249] : memref<16x512xf32, #tpu.memory_space<vmem>>, vector<16x512xf32>
    %swap3A_251 = arith.constant 848 : index
    %swap3A_252 = arith.constant 0 : index
    %swap3A_253 = vector.load %arg4[%swap3A_251, %swap3A_252] : memref<3080x512xf32, #tpu.memory_space<vmem>>, vector<16x512xf32>
    tpu.vector_store %arg4[%swap3A_251, %swap3A_252], %get3A_250 {strides = array<i32>} : memref<3080x512xf32, #tpu.memory_space<vmem>>, vector<16x512xf32>,
    %get3A_254 = arith.constant 0 : index
    %get3A_255 = arith.constant 11 : index
    %get3A_256 = arith.constant 0 : index
    %get3A_257 = vector.load %arg2[%get3A_254, %get3A_255, %get3A_256] : memref<60x40x512xf32, #tpu.memory_space<vmem>>, vector<60x1x512xf32>
    %get3A_258 = vector.shape_cast %get3A_257 : vector<60x1x512xf32> to vector<60x512xf32>
    %swap3A_259 = arith.constant 864 : index
    %swap3A_260 = arith.constant 0 : index
    %swap3A_261 = vector.load %arg4[%swap3A_259, %swap3A_260] : memref<3080x512xf32, #tpu.memory_space<vmem>>, vector<60x512xf32>
    tpu.vector_store %arg4[%swap3A_259, %swap3A_260], %get3A_258 {strides = array<i32>} : memref<3080x512xf32, #tpu.memory_space<vmem>>, vector<60x512xf32>,
    %get3A_262 = arith.constant 12 : index
    %get3A_263 = arith.constant 0 : index
    %get3A_264 = arith.constant 0 : index
    %get3A_265 = vector.load %arg1[%get3A_262, %get3A_263, %get3A_264] : memref<40x1x512xf32, #tpu.memory_space<vmem>>, vector<1x1x512xf32>
    %get3A_266 = vector.shape_cast %get3A_265 : vector<1x1x512xf32> to vector<1x512xf32>
    %swap3A_267 = arith.constant 924 : index
    %swap3A_268 = arith.constant 0 : index
    %swap3A_269 = vector.load %arg4[%swap3A_267, %swap3A_268] : memref<3080x512xf32, #tpu.memory_space<vmem>>, vector<1x512xf32>
    tpu.vector_store %arg4[%swap3A_267, %swap3A_268], %get3A_266 {strides = array<i32>} : memref<3080x512xf32, #tpu.memory_space<vmem>>, vector<1x512xf32>,
    %get3A_270 = arith.constant 0 : index
    %get3A_271 = arith.constant 0 : index
    %get3A_272 = vector.load %arg3[%get3A_270, %get3A_271] : memref<16x512xf32, #tpu.memory_space<vmem>>, vector<16x512xf32>
    %swap3A_273 = arith.constant 925 : index
    %swap3A_274 = arith.constant 0 : index
    %swap3A_275 = vector.load %arg4[%swap3A_273, %swap3A_274] : memref<3080x512xf32, #tpu.memory_space<vmem>>, vector<16x512xf32>
    tpu.vector_store %arg4[%swap3A_273, %swap3A_274], %get3A_272 {strides = array<i32>} : memref<3080x512xf32, #tpu.memory_space<vmem>>, vector<16x512xf32>,
    %get3A_276 = arith.constant 0 : index
    %get3A_277 = arith.constant 12 : index
    %get3A_278 = arith.constant 0 : index
    %get3A_279 = vector.load %arg2[%get3A_276, %get3A_277, %get3A_278] : memref<60x40x512xf32, #tpu.memory_space<vmem>>, vector<60x1x512xf32>
    %get3A_280 = vector.shape_cast %get3A_279 : vector<60x1x512xf32> to vector<60x512xf32>
    %swap3A_281 = arith.constant 941 : index
    %swap3A_282 = arith.constant 0 : index
    %swap3A_283 = vector.load %arg4[%swap3A_281, %swap3A_282] : memref<3080x512xf32, #tpu.memory_space<vmem>>, vector<60x512xf32>
    tpu.vector_store %arg4[%swap3A_281, %swap3A_282], %get3A_280 {strides = array<i32>} : memref<3080x512xf32, #tpu.memory_space<vmem>>, vector<60x512xf32>,
    %get3A_284 = arith.constant 13 : index
    %get3A_285 = arith.constant 0 : index
    %get3A_286 = arith.constant 0 : index
    %get3A_287 = vector.load %arg1[%get3A_284, %get3A_285, %get3A_286] : memref<40x1x512xf32, #tpu.memory_space<vmem>>, vector<1x1x512xf32>
    %get3A_288 = vector.shape_cast %get3A_287 : vector<1x1x512xf32> to vector<1x512xf32>
    %swap3A_289 = arith.constant 1001 : index
    %swap3A_290 = arith.constant 0 : index
    %swap3A_291 = vector.load %arg4[%swap3A_289, %swap3A_290] : memref<3080x512xf32, #tpu.memory_space<vmem>>, vector<1x512xf32>
    tpu.vector_store %arg4[%swap3A_289, %swap3A_290], %get3A_288 {strides = array<i32>} : memref<3080x512xf32, #tpu.memory_space<vmem>>, vector<1x512xf32>,
    %get3A_292 = arith.constant 0 : index
    %get3A_293 = arith.constant 0 : index
    %get3A_294 = vector.load %arg3[%get3A_292, %get3A_293] : memref<16x512xf32, #tpu.memory_space<vmem>>, vector<16x512xf32>
    %swap3A_295 = arith.constant 1002 : index
    %swap3A_296 = arith.constant 0 : index
    %swap3A_297 = vector.load %arg4[%swap3A_295, %swap3A_296] : memref<3080x512xf32, #tpu.memory_space<vmem>>, vector<16x512xf32>
    tpu.vector_store %arg4[%swap3A_295, %swap3A_296], %get3A_294 {strides = array<i32>} : memref<3080x512xf32, #tpu.memory_space<vmem>>, vector<16x512xf32>,
    %get3A_298 = arith.constant 0 : index
    %get3A_299 = arith.constant 13 : index
    %get3A_300 = arith.constant 0 : index
    %get3A_301 = vector.load %arg2[%get3A_298, %get3A_299, %get3A_300] : memref<60x40x512xf32, #tpu.memory_space<vmem>>, vector<60x1x512xf32>
    %get3A_302 = vector.shape_cast %get3A_301 : vector<60x1x512xf32> to vector<60x512xf32>
    %swap3A_303 = arith.constant 1018 : index
    %swap3A_304 = arith.constant 0 : index
    %swap3A_305 = vector.load %arg4[%swap3A_303, %swap3A_304] : memref<3080x512xf32, #tpu.memory_space<vmem>>, vector<60x512xf32>
    tpu.vector_store %arg4[%swap3A_303, %swap3A_304], %get3A_302 {strides = array<i32>} : memref<3080x512xf32, #tpu.memory_space<vmem>>, vector<60x512xf32>,
    %get3A_306 = arith.constant 14 : index
    %get3A_307 = arith.constant 0 : index
    %get3A_308 = arith.constant 0 : index
    %get3A_309 = vector.load %arg1[%get3A_306, %get3A_307, %get3A_308] : memref<40x1x512xf32, #tpu.memory_space<vmem>>, vector<1x1x512xf32>
    %get3A_310 = vector.shape_cast %get3A_309 : vector<1x1x512xf32> to vector<1x512xf32>
    %swap3A_311 = arith.constant 1078 : index
    %swap3A_312 = arith.constant 0 : index
    %swap3A_313 = vector.load %arg4[%swap3A_311, %swap3A_312] : memref<3080x512xf32, #tpu.memory_space<vmem>>, vector<1x512xf32>
    tpu.vector_store %arg4[%swap3A_311, %swap3A_312], %get3A_310 {strides = array<i32>} : memref<3080x512xf32, #tpu.memory_space<vmem>>, vector<1x512xf32>,
    %get3A_314 = arith.constant 0 : index
    %get3A_315 = arith.constant 0 : index
    %get3A_316 = vector.load %arg3[%get3A_314, %get3A_315] : memref<16x512xf32, #tpu.memory_space<vmem>>, vector<16x512xf32>
    %swap3A_317 = arith.constant 1079 : index
    %swap3A_318 = arith.constant 0 : index
    %swap3A_319 = vector.load %arg4[%swap3A_317, %swap3A_318] : memref<3080x512xf32, #tpu.memory_space<vmem>>, vector<16x512xf32>
    tpu.vector_store %arg4[%swap3A_317, %swap3A_318], %get3A_316 {strides = array<i32>} : memref<3080x512xf32, #tpu.memory_space<vmem>>, vector<16x512xf32>,
    %get3A_320 = arith.constant 0 : index
    %get3A_321 = arith.constant 14 : index
    %get3A_322 = arith.constant 0 : index
    %get3A_323 = vector.load %arg2[%get3A_320, %get3A_321, %get3A_322] : memref<60x40x512xf32, #tpu.memory_space<vmem>>, vector<60x1x512xf32>
    %get3A_324 = vector.shape_cast %get3A_323 : vector<60x1x512xf32> to vector<60x512xf32>
    %swap3A_325 = arith.constant 1095 : index
    %swap3A_326 = arith.constant 0 : index
    %swap3A_327 = vector.load %arg4[%swap3A_325, %swap3A_326] : memref<3080x512xf32, #tpu.memory_space<vmem>>, vector<60x512xf32>
    tpu.vector_store %arg4[%swap3A_325, %swap3A_326], %get3A_324 {strides = array<i32>} : memref<3080x512xf32, #tpu.memory_space<vmem>>, vector<60x512xf32>,
    %get3A_328 = arith.constant 15 : index
    %get3A_329 = arith.constant 0 : index
    %get3A_330 = arith.constant 0 : index
    %get3A_331 = vector.load %arg1[%get3A_328, %get3A_329, %get3A_330] : memref<40x1x512xf32, #tpu.memory_space<vmem>>, vector<1x1x512xf32>
    %get3A_332 = vector.shape_cast %get3A_331 : vector<1x1x512xf32> to vector<1x512xf32>
    %swap3A_333 = arith.constant 1155 : index
    %swap3A_334 = arith.constant 0 : index
    %swap3A_335 = vector.load %arg4[%swap3A_333, %swap3A_334] : memref<3080x512xf32, #tpu.memory_space<vmem>>, vector<1x512xf32>
    tpu.vector_store %arg4[%swap3A_333, %swap3A_334], %get3A_332 {strides = array<i32>} : memref<3080x512xf32, #tpu.memory_space<vmem>>, vector<1x512xf32>,
    %get3A_336 = arith.constant 0 : index
    %get3A_337 = arith.constant 0 : index
    %get3A_338 = vector.load %arg3[%get3A_336, %get3A_337] : memref<16x512xf32, #tpu.memory_space<vmem>>, vector<16x512xf32>
    %swap3A_339 = arith.constant 1156 : index
    %swap3A_340 = arith.constant 0 : index
    %swap3A_341 = vector.load %arg4[%swap3A_339, %swap3A_340] : memref<3080x512xf32, #tpu.memory_space<vmem>>, vector<16x512xf32>
    tpu.vector_store %arg4[%swap3A_339, %swap3A_340], %get3A_338 {strides = array<i32>} : memref<3080x512xf32, #tpu.memory_space<vmem>>, vector<16x512xf32>,
    %get3A_342 = arith.constant 0 : index
    %get3A_343 = arith.constant 15 : index
    %get3A_344 = arith.constant 0 : index
    %get3A_345 = vector.load %arg2[%get3A_342, %get3A_343, %get3A_344] : memref<60x40x512xf32, #tpu.memory_space<vmem>>, vector<60x1x512xf32>
    %get3A_346 = vector.shape_cast %get3A_345 : vector<60x1x512xf32> to vector<60x512xf32>
    %swap3A_347 = arith.constant 1172 : index
    %swap3A_348 = arith.constant 0 : index
    %swap3A_349 = vector.load %arg4[%swap3A_347, %swap3A_348] : memref<3080x512xf32, #tpu.memory_space<vmem>>, vector<60x512xf32>
    tpu.vector_store %arg4[%swap3A_347, %swap3A_348], %get3A_346 {strides = array<i32>} : memref<3080x512xf32, #tpu.memory_space<vmem>>, vector<60x512xf32>,
    %get3A_350 = arith.constant 16 : index
    %get3A_351 = arith.constant 0 : index
    %get3A_352 = arith.constant 0 : index
    %get3A_353 = vector.load %arg1[%get3A_350, %get3A_351, %get3A_352] : memref<40x1x512xf32, #tpu.memory_space<vmem>>, vector<1x1x512xf32>
    %get3A_354 = vector.shape_cast %get3A_353 : vector<1x1x512xf32> to vector<1x512xf32>
    %swap3A_355 = arith.constant 1232 : index
    %swap3A_356 = arith.constant 0 : index
    %swap3A_357 = vector.load %arg4[%swap3A_355, %swap3A_356] : memref<3080x512xf32, #tpu.memory_space<vmem>>, vector<1x512xf32>
    tpu.vector_store %arg4[%swap3A_355, %swap3A_356], %get3A_354 {strides = array<i32>} : memref<3080x512xf32, #tpu.memory_space<vmem>>, vector<1x512xf32>,
    %get3A_358 = arith.constant 0 : index
    %get3A_359 = arith.constant 0 : index
    %get3A_360 = vector.load %arg3[%get3A_358, %get3A_359] : memref<16x512xf32, #tpu.memory_space<vmem>>, vector<16x512xf32>
    %swap3A_361 = arith.constant 1233 : index
    %swap3A_362 = arith.constant 0 : index
    %swap3A_363 = vector.load %arg4[%swap3A_361, %swap3A_362] : memref<3080x512xf32, #tpu.memory_space<vmem>>, vector<16x512xf32>
    tpu.vector_store %arg4[%swap3A_361, %swap3A_362], %get3A_360 {strides = array<i32>} : memref<3080x512xf32, #tpu.memory_space<vmem>>, vector<16x512xf32>,
    %get3A_364 = arith.constant 0 : index
    %get3A_365 = arith.constant 16 : index
    %get3A_366 = arith.constant 0 : index
    %get3A_367 = vector.load %arg2[%get3A_364, %get3A_365, %get3A_366] : memref<60x40x512xf32, #tpu.memory_space<vmem>>, vector<60x1x512xf32>
    %get3A_368 = vector.shape_cast %get3A_367 : vector<60x1x512xf32> to vector<60x512xf32>
    %swap3A_369 = arith.constant 1249 : index
    %swap3A_370 = arith.constant 0 : index
    %swap3A_371 = vector.load %arg4[%swap3A_369, %swap3A_370] : memref<3080x512xf32, #tpu.memory_space<vmem>>, vector<60x512xf32>
    tpu.vector_store %arg4[%swap3A_369, %swap3A_370], %get3A_368 {strides = array<i32>} : memref<3080x512xf32, #tpu.memory_space<vmem>>, vector<60x512xf32>,
    %get3A_372 = arith.constant 17 : index
    %get3A_373 = arith.constant 0 : index
    %get3A_374 = arith.constant 0 : index
    %get3A_375 = vector.load %arg1[%get3A_372, %get3A_373, %get3A_374] : memref<40x1x512xf32, #tpu.memory_space<vmem>>, vector<1x1x512xf32>
    %get3A_376 = vector.shape_cast %get3A_375 : vector<1x1x512xf32> to vector<1x512xf32>
    %swap3A_377 = arith.constant 1309 : index
    %swap3A_378 = arith.constant 0 : index
    %swap3A_379 = vector.load %arg4[%swap3A_377, %swap3A_378] : memref<3080x512xf32, #tpu.memory_space<vmem>>, vector<1x512xf32>
    tpu.vector_store %arg4[%swap3A_377, %swap3A_378], %get3A_376 {strides = array<i32>} : memref<3080x512xf32, #tpu.memory_space<vmem>>, vector<1x512xf32>,
    %get3A_380 = arith.constant 0 : index
    %get3A_381 = arith.constant 0 : index
    %get3A_382 = vector.load %arg3[%get3A_380, %get3A_381] : memref<16x512xf32, #tpu.memory_space<vmem>>, vector<16x512xf32>
    %swap3A_383 = arith.constant 1310 : index
    %swap3A_384 = arith.constant 0 : index
    %swap3A_385 = vector.load %arg4[%swap3A_383, %swap3A_384] : memref<3080x512xf32, #tpu.memory_space<vmem>>, vector<16x512xf32>
    tpu.vector_store %arg4[%swap3A_383, %swap3A_384], %get3A_382 {strides = array<i32>} : memref<3080x512xf32, #tpu.memory_space<vmem>>, vector<16x512xf32>,
    %get3A_386 = arith.constant 0 : index
    %get3A_387 = arith.constant 17 : index
    %get3A_388 = arith.constant 0 : index
    %get3A_389 = vector.load %arg2[%get3A_386, %get3A_387, %get3A_388] : memref<60x40x512xf32, #tpu.memory_space<vmem>>, vector<60x1x512xf32>
    %get3A_390 = vector.shape_cast %get3A_389 : vector<60x1x512xf32> to vector<60x512xf32>
    %swap3A_391 = arith.constant 1326 : index
    %swap3A_392 = arith.constant 0 : index
    %swap3A_393 = vector.load %arg4[%swap3A_391, %swap3A_392] : memref<3080x512xf32, #tpu.memory_space<vmem>>, vector<60x512xf32>
    tpu.vector_store %arg4[%swap3A_391, %swap3A_392], %get3A_390 {strides = array<i32>} : memref<3080x512xf32, #tpu.memory_space<vmem>>, vector<60x512xf32>,
    %get3A_394 = arith.constant 18 : index
    %get3A_395 = arith.constant 0 : index
    %get3A_396 = arith.constant 0 : index
    %get3A_397 = vector.load %arg1[%get3A_394, %get3A_395, %get3A_396] : memref<40x1x512xf32, #tpu.memory_space<vmem>>, vector<1x1x512xf32>
    %get3A_398 = vector.shape_cast %get3A_397 : vector<1x1x512xf32> to vector<1x512xf32>
    %swap3A_399 = arith.constant 1386 : index
    %swap3A_400 = arith.constant 0 : index
    %swap3A_401 = vector.load %arg4[%swap3A_399, %swap3A_400] : memref<3080x512xf32, #tpu.memory_space<vmem>>, vector<1x512xf32>
    tpu.vector_store %arg4[%swap3A_399, %swap3A_400], %get3A_398 {strides = array<i32>} : memref<3080x512xf32, #tpu.memory_space<vmem>>, vector<1x512xf32>,
    %get3A_402 = arith.constant 0 : index
    %get3A_403 = arith.constant 0 : index
    %get3A_404 = vector.load %arg3[%get3A_402, %get3A_403] : memref<16x512xf32, #tpu.memory_space<vmem>>, vector<16x512xf32>
    %swap3A_405 = arith.constant 1387 : index
    %swap3A_406 = arith.constant 0 : index
    %swap3A_407 = vector.load %arg4[%swap3A_405, %swap3A_406] : memref<3080x512xf32, #tpu.memory_space<vmem>>, vector<16x512xf32>
    tpu.vector_store %arg4[%swap3A_405, %swap3A_406], %get3A_404 {strides = array<i32>} : memref<3080x512xf32, #tpu.memory_space<vmem>>, vector<16x512xf32>,
    %get3A_408 = arith.constant 0 : index
    %get3A_409 = arith.constant 18 : index
    %get3A_410 = arith.constant 0 : index
    %get3A_411 = vector.load %arg2[%get3A_408, %get3A_409, %get3A_410] : memref<60x40x512xf32, #tpu.memory_space<vmem>>, vector<60x1x512xf32>
    %get3A_412 = vector.shape_cast %get3A_411 : vector<60x1x512xf32> to vector<60x512xf32>
    %swap3A_413 = arith.constant 1403 : index
    %swap3A_414 = arith.constant 0 : index
    %swap3A_415 = vector.load %arg4[%swap3A_413, %swap3A_414] : memref<3080x512xf32, #tpu.memory_space<vmem>>, vector<60x512xf32>
    tpu.vector_store %arg4[%swap3A_413, %swap3A_414], %get3A_412 {strides = array<i32>} : memref<3080x512xf32, #tpu.memory_space<vmem>>, vector<60x512xf32>,
    %get3A_416 = arith.constant 19 : index
    %get3A_417 = arith.constant 0 : index
    %get3A_418 = arith.constant 0 : index
    %get3A_419 = vector.load %arg1[%get3A_416, %get3A_417, %get3A_418] : memref<40x1x512xf32, #tpu.memory_space<vmem>>, vector<1x1x512xf32>
    %get3A_420 = vector.shape_cast %get3A_419 : vector<1x1x512xf32> to vector<1x512xf32>
    %swap3A_421 = arith.constant 1463 : index
    %swap3A_422 = arith.constant 0 : index
    %swap3A_423 = vector.load %arg4[%swap3A_421, %swap3A_422] : memref<3080x512xf32, #tpu.memory_space<vmem>>, vector<1x512xf32>
    tpu.vector_store %arg4[%swap3A_421, %swap3A_422], %get3A_420 {strides = array<i32>} : memref<3080x512xf32, #tpu.memory_space<vmem>>, vector<1x512xf32>,
    %get3A_424 = arith.constant 0 : index
    %get3A_425 = arith.constant 0 : index
    %get3A_426 = vector.load %arg3[%get3A_424, %get3A_425] : memref<16x512xf32, #tpu.memory_space<vmem>>, vector<16x512xf32>
    %swap3A_427 = arith.constant 1464 : index
    %swap3A_428 = arith.constant 0 : index
    %swap3A_429 = vector.load %arg4[%swap3A_427, %swap3A_428] : memref<3080x512xf32, #tpu.memory_space<vmem>>, vector<16x512xf32>
    tpu.vector_store %arg4[%swap3A_427, %swap3A_428], %get3A_426 {strides = array<i32>} : memref<3080x512xf32, #tpu.memory_space<vmem>>, vector<16x512xf32>,
    %get3A_430 = arith.constant 0 : index
    %get3A_431 = arith.constant 19 : index
    %get3A_432 = arith.constant 0 : index
    %get3A_433 = vector.load %arg2[%get3A_430, %get3A_431, %get3A_432] : memref<60x40x512xf32, #tpu.memory_space<vmem>>, vector<60x1x512xf32>
    %get3A_434 = vector.shape_cast %get3A_433 : vector<60x1x512xf32> to vector<60x512xf32>
    %swap3A_435 = arith.constant 1480 : index
    %swap3A_436 = arith.constant 0 : index
    %swap3A_437 = vector.load %arg4[%swap3A_435, %swap3A_436] : memref<3080x512xf32, #tpu.memory_space<vmem>>, vector<60x512xf32>
    tpu.vector_store %arg4[%swap3A_435, %swap3A_436], %get3A_434 {strides = array<i32>} : memref<3080x512xf32, #tpu.memory_space<vmem>>, vector<60x512xf32>,
    %get3A_438 = arith.constant 20 : index
    %get3A_439 = arith.constant 0 : index
    %get3A_440 = arith.constant 0 : index
    %get3A_441 = vector.load %arg1[%get3A_438, %get3A_439, %get3A_440] : memref<40x1x512xf32, #tpu.memory_space<vmem>>, vector<1x1x512xf32>
    %get3A_442 = vector.shape_cast %get3A_441 : vector<1x1x512xf32> to vector<1x512xf32>
    %swap3A_443 = arith.constant 1540 : index
    %swap3A_444 = arith.constant 0 : index
    %swap3A_445 = vector.load %arg4[%swap3A_443, %swap3A_444] : memref<3080x512xf32, #tpu.memory_space<vmem>>, vector<1x512xf32>
    tpu.vector_store %arg4[%swap3A_443, %swap3A_444], %get3A_442 {strides = array<i32>} : memref<3080x512xf32, #tpu.memory_space<vmem>>, vector<1x512xf32>,
    %get3A_446 = arith.constant 0 : index
    %get3A_447 = arith.constant 0 : index
    %get3A_448 = vector.load %arg3[%get3A_446, %get3A_447] : memref<16x512xf32, #tpu.memory_space<vmem>>, vector<16x512xf32>
    %swap3A_449 = arith.constant 1541 : index
    %swap3A_450 = arith.constant 0 : index
    %swap3A_451 = vector.load %arg4[%swap3A_449, %swap3A_450] : memref<3080x512xf32, #tpu.memory_space<vmem>>, vector<16x512xf32>
    tpu.vector_store %arg4[%swap3A_449, %swap3A_450], %get3A_448 {strides = array<i32>} : memref<3080x512xf32, #tpu.memory_space<vmem>>, vector<16x512xf32>,
    %get3A_452 = arith.constant 0 : index
    %get3A_453 = arith.constant 20 : index
    %get3A_454 = arith.constant 0 : index
    %get3A_455 = vector.load %arg2[%get3A_452, %get3A_453, %get3A_454] : memref<60x40x512xf32, #tpu.memory_space<vmem>>, vector<60x1x512xf32>
    %get3A_456 = vector.shape_cast %get3A_455 : vector<60x1x512xf32> to vector<60x512xf32>
    %swap3A_457 = arith.constant 1557 : index
    %swap3A_458 = arith.constant 0 : index
    %swap3A_459 = vector.load %arg4[%swap3A_457, %swap3A_458] : memref<3080x512xf32, #tpu.memory_space<vmem>>, vector<60x512xf32>
    tpu.vector_store %arg4[%swap3A_457, %swap3A_458], %get3A_456 {strides = array<i32>} : memref<3080x512xf32, #tpu.memory_space<vmem>>, vector<60x512xf32>,
    %get3A_460 = arith.constant 21 : index
    %get3A_461 = arith.constant 0 : index
    %get3A_462 = arith.constant 0 : index
    %get3A_463 = vector.load %arg1[%get3A_460, %get3A_461, %get3A_462] : memref<40x1x512xf32, #tpu.memory_space<vmem>>, vector<1x1x512xf32>
    %get3A_464 = vector.shape_cast %get3A_463 : vector<1x1x512xf32> to vector<1x512xf32>
    %swap3A_465 = arith.constant 1617 : index
    %swap3A_466 = arith.constant 0 : index
    %swap3A_467 = vector.load %arg4[%swap3A_465, %swap3A_466] : memref<3080x512xf32, #tpu.memory_space<vmem>>, vector<1x512xf32>
    tpu.vector_store %arg4[%swap3A_465, %swap3A_466], %get3A_464 {strides = array<i32>} : memref<3080x512xf32, #tpu.memory_space<vmem>>, vector<1x512xf32>,
    %get3A_468 = arith.constant 0 : index
    %get3A_469 = arith.constant 0 : index
    %get3A_470 = vector.load %arg3[%get3A_468, %get3A_469] : memref<16x512xf32, #tpu.memory_space<vmem>>, vector<16x512xf32>
    %swap3A_471 = arith.constant 1618 : index
    %swap3A_472 = arith.constant 0 : index
    %swap3A_473 = vector.load %arg4[%swap3A_471, %swap3A_472] : memref<3080x512xf32, #tpu.memory_space<vmem>>, vector<16x512xf32>
    tpu.vector_store %arg4[%swap3A_471, %swap3A_472], %get3A_470 {strides = array<i32>} : memref<3080x512xf32, #tpu.memory_space<vmem>>, vector<16x512xf32>,
    %get3A_474 = arith.constant 0 : index
    %get3A_475 = arith.constant 21 : index
    %get3A_476 = arith.constant 0 : index
    %get3A_477 = vector.load %arg2[%get3A_474, %get3A_475, %get3A_476] : memref<60x40x512xf32, #tpu.memory_space<vmem>>, vector<60x1x512xf32>
    %get3A_478 = vector.shape_cast %get3A_477 : vector<60x1x512xf32> to vector<60x512xf32>
    %swap3A_479 = arith.constant 1634 : index
    %swap3A_480 = arith.constant 0 : index
    %swap3A_481 = vector.load %arg4[%swap3A_479, %swap3A_480] : memref<3080x512xf32, #tpu.memory_space<vmem>>, vector<60x512xf32>
    tpu.vector_store %arg4[%swap3A_479, %swap3A_480], %get3A_478 {strides = array<i32>} : memref<3080x512xf32, #tpu.memory_space<vmem>>, vector<60x512xf32>,
    %get3A_482 = arith.constant 22 : index
    %get3A_483 = arith.constant 0 : index
    %get3A_484 = arith.constant 0 : index
    %get3A_485 = vector.load %arg1[%get3A_482, %get3A_483, %get3A_484] : memref<40x1x512xf32, #tpu.memory_space<vmem>>, vector<1x1x512xf32>
    %get3A_486 = vector.shape_cast %get3A_485 : vector<1x1x512xf32> to vector<1x512xf32>
    %swap3A_487 = arith.constant 1694 : index
    %swap3A_488 = arith.constant 0 : index
    %swap3A_489 = vector.load %arg4[%swap3A_487, %swap3A_488] : memref<3080x512xf32, #tpu.memory_space<vmem>>, vector<1x512xf32>
    tpu.vector_store %arg4[%swap3A_487, %swap3A_488], %get3A_486 {strides = array<i32>} : memref<3080x512xf32, #tpu.memory_space<vmem>>, vector<1x512xf32>,
    %get3A_490 = arith.constant 0 : index
    %get3A_491 = arith.constant 0 : index
    %get3A_492 = vector.load %arg3[%get3A_490, %get3A_491] : memref<16x512xf32, #tpu.memory_space<vmem>>, vector<16x512xf32>
    %swap3A_493 = arith.constant 1695 : index
    %swap3A_494 = arith.constant 0 : index
    %swap3A_495 = vector.load %arg4[%swap3A_493, %swap3A_494] : memref<3080x512xf32, #tpu.memory_space<vmem>>, vector<16x512xf32>
    tpu.vector_store %arg4[%swap3A_493, %swap3A_494], %get3A_492 {strides = array<i32>} : memref<3080x512xf32, #tpu.memory_space<vmem>>, vector<16x512xf32>,
    %get3A_496 = arith.constant 0 : index
    %get3A_497 = arith.constant 22 : index
    %get3A_498 = arith.constant 0 : index
    %get3A_499 = vector.load %arg2[%get3A_496, %get3A_497, %get3A_498] : memref<60x40x512xf32, #tpu.memory_space<vmem>>, vector<60x1x512xf32>
    %get3A_500 = vector.shape_cast %get3A_499 : vector<60x1x512xf32> to vector<60x512xf32>
    %swap3A_501 = arith.constant 1711 : index
    %swap3A_502 = arith.constant 0 : index
    %swap3A_503 = vector.load %arg4[%swap3A_501, %swap3A_502] : memref<3080x512xf32, #tpu.memory_space<vmem>>, vector<60x512xf32>
    tpu.vector_store %arg4[%swap3A_501, %swap3A_502], %get3A_500 {strides = array<i32>} : memref<3080x512xf32, #tpu.memory_space<vmem>>, vector<60x512xf32>,
    %get3A_504 = arith.constant 23 : index
    %get3A_505 = arith.constant 0 : index
    %get3A_506 = arith.constant 0 : index
    %get3A_507 = vector.load %arg1[%get3A_504, %get3A_505, %get3A_506] : memref<40x1x512xf32, #tpu.memory_space<vmem>>, vector<1x1x512xf32>
    %get3A_508 = vector.shape_cast %get3A_507 : vector<1x1x512xf32> to vector<1x512xf32>
    %swap3A_509 = arith.constant 1771 : index
    %swap3A_510 = arith.constant 0 : index
    %swap3A_511 = vector.load %arg4[%swap3A_509, %swap3A_510] : memref<3080x512xf32, #tpu.memory_space<vmem>>, vector<1x512xf32>
    tpu.vector_store %arg4[%swap3A_509, %swap3A_510], %get3A_508 {strides = array<i32>} : memref<3080x512xf32, #tpu.memory_space<vmem>>, vector<1x512xf32>,
    %get3A_512 = arith.constant 0 : index
    %get3A_513 = arith.constant 0 : index
    %get3A_514 = vector.load %arg3[%get3A_512, %get3A_513] : memref<16x512xf32, #tpu.memory_space<vmem>>, vector<16x512xf32>
    %swap3A_515 = arith.constant 1772 : index
    %swap3A_516 = arith.constant 0 : index
    %swap3A_517 = vector.load %arg4[%swap3A_515, %swap3A_516] : memref<3080x512xf32, #tpu.memory_space<vmem>>, vector<16x512xf32>
    tpu.vector_store %arg4[%swap3A_515, %swap3A_516], %get3A_514 {strides = array<i32>} : memref<3080x512xf32, #tpu.memory_space<vmem>>, vector<16x512xf32>,
    %get3A_518 = arith.constant 0 : index
    %get3A_519 = arith.constant 23 : index
    %get3A_520 = arith.constant 0 : index
    %get3A_521 = vector.load %arg2[%get3A_518, %get3A_519, %get3A_520] : memref<60x40x512xf32, #tpu.memory_space<vmem>>, vector<60x1x512xf32>
    %get3A_522 = vector.shape_cast %get3A_521 : vector<60x1x512xf32> to vector<60x512xf32>
    %swap3A_523 = arith.constant 1788 : index
    %swap3A_524 = arith.constant 0 : index
    %swap3A_525 = vector.load %arg4[%swap3A_523, %swap3A_524] : memref<3080x512xf32, #tpu.memory_space<vmem>>, vector<60x512xf32>
    tpu.vector_store %arg4[%swap3A_523, %swap3A_524], %get3A_522 {strides = array<i32>} : memref<3080x512xf32, #tpu.memory_space<vmem>>, vector<60x512xf32>,
    %get3A_526 = arith.constant 24 : index
    %get3A_527 = arith.constant 0 : index
    %get3A_528 = arith.constant 0 : index
    %get3A_529 = vector.load %arg1[%get3A_526, %get3A_527, %get3A_528] : memref<40x1x512xf32, #tpu.memory_space<vmem>>, vector<1x1x512xf32>
    %get3A_530 = vector.shape_cast %get3A_529 : vector<1x1x512xf32> to vector<1x512xf32>
    %swap3A_531 = arith.constant 1848 : index
    %swap3A_532 = arith.constant 0 : index
    %swap3A_533 = vector.load %arg4[%swap3A_531, %swap3A_532] : memref<3080x512xf32, #tpu.memory_space<vmem>>, vector<1x512xf32>
    tpu.vector_store %arg4[%swap3A_531, %swap3A_532], %get3A_530 {strides = array<i32>} : memref<3080x512xf32, #tpu.memory_space<vmem>>, vector<1x512xf32>,
    %get3A_534 = arith.constant 0 : index
    %get3A_535 = arith.constant 0 : index
    %get3A_536 = vector.load %arg3[%get3A_534, %get3A_535] : memref<16x512xf32, #tpu.memory_space<vmem>>, vector<16x512xf32>
    %swap3A_537 = arith.constant 1849 : index
    %swap3A_538 = arith.constant 0 : index
    %swap3A_539 = vector.load %arg4[%swap3A_537, %swap3A_538] : memref<3080x512xf32, #tpu.memory_space<vmem>>, vector<16x512xf32>
    tpu.vector_store %arg4[%swap3A_537, %swap3A_538], %get3A_536 {strides = array<i32>} : memref<3080x512xf32, #tpu.memory_space<vmem>>, vector<16x512xf32>,
    %get3A_540 = arith.constant 0 : index
    %get3A_541 = arith.constant 24 : index
    %get3A_542 = arith.constant 0 : index
    %get3A_543 = vector.load %arg2[%get3A_540, %get3A_541, %get3A_542] : memref<60x40x512xf32, #tpu.memory_space<vmem>>, vector<60x1x512xf32>
    %get3A_544 = vector.shape_cast %get3A_543 : vector<60x1x512xf32> to vector<60x512xf32>
    %swap3A_545 = arith.constant 1865 : index
    %swap3A_546 = arith.constant 0 : index
    %swap3A_547 = vector.load %arg4[%swap3A_545, %swap3A_546] : memref<3080x512xf32, #tpu.memory_space<vmem>>, vector<60x512xf32>
    tpu.vector_store %arg4[%swap3A_545, %swap3A_546], %get3A_544 {strides = array<i32>} : memref<3080x512xf32, #tpu.memory_space<vmem>>, vector<60x512xf32>,
    %get3A_548 = arith.constant 25 : index
    %get3A_549 = arith.constant 0 : index
    %get3A_550 = arith.constant 0 : index
    %get3A_551 = vector.load %arg1[%get3A_548, %get3A_549, %get3A_550] : memref<40x1x512xf32, #tpu.memory_space<vmem>>, vector<1x1x512xf32>
    %get3A_552 = vector.shape_cast %get3A_551 : vector<1x1x512xf32> to vector<1x512xf32>
    %swap3A_553 = arith.constant 1925 : index
    %swap3A_554 = arith.constant 0 : index
    %swap3A_555 = vector.load %arg4[%swap3A_553, %swap3A_554] : memref<3080x512xf32, #tpu.memory_space<vmem>>, vector<1x512xf32>
    tpu.vector_store %arg4[%swap3A_553, %swap3A_554], %get3A_552 {strides = array<i32>} : memref<3080x512xf32, #tpu.memory_space<vmem>>, vector<1x512xf32>,
    %get3A_556 = arith.constant 0 : index
    %get3A_557 = arith.constant 0 : index
    %get3A_558 = vector.load %arg3[%get3A_556, %get3A_557] : memref<16x512xf32, #tpu.memory_space<vmem>>, vector<16x512xf32>
    %swap3A_559 = arith.constant 1926 : index
    %swap3A_560 = arith.constant 0 : index
    %swap3A_561 = vector.load %arg4[%swap3A_559, %swap3A_560] : memref<3080x512xf32, #tpu.memory_space<vmem>>, vector<16x512xf32>
    tpu.vector_store %arg4[%swap3A_559, %swap3A_560], %get3A_558 {strides = array<i32>} : memref<3080x512xf32, #tpu.memory_space<vmem>>, vector<16x512xf32>,
    %get3A_562 = arith.constant 0 : index
    %get3A_563 = arith.constant 25 : index
    %get3A_564 = arith.constant 0 : index
    %get3A_565 = vector.load %arg2[%get3A_562, %get3A_563, %get3A_564] : memref<60x40x512xf32, #tpu.memory_space<vmem>>, vector<60x1x512xf32>
    %get3A_566 = vector.shape_cast %get3A_565 : vector<60x1x512xf32> to vector<60x512xf32>
    %swap3A_567 = arith.constant 1942 : index
    %swap3A_568 = arith.constant 0 : index
    %swap3A_569 = vector.load %arg4[%swap3A_567, %swap3A_568] : memref<3080x512xf32, #tpu.memory_space<vmem>>, vector<60x512xf32>
    tpu.vector_store %arg4[%swap3A_567, %swap3A_568], %get3A_566 {strides = array<i32>} : memref<3080x512xf32, #tpu.memory_space<vmem>>, vector<60x512xf32>,
    %get3A_570 = arith.constant 26 : index
    %get3A_571 = arith.constant 0 : index
    %get3A_572 = arith.constant 0 : index
    %get3A_573 = vector.load %arg1[%get3A_570, %get3A_571, %get3A_572] : memref<40x1x512xf32, #tpu.memory_space<vmem>>, vector<1x1x512xf32>
    %get3A_574 = vector.shape_cast %get3A_573 : vector<1x1x512xf32> to vector<1x512xf32>
    %swap3A_575 = arith.constant 2002 : index
    %swap3A_576 = arith.constant 0 : index
    %swap3A_577 = vector.load %arg4[%swap3A_575, %swap3A_576] : memref<3080x512xf32, #tpu.memory_space<vmem>>, vector<1x512xf32>
    tpu.vector_store %arg4[%swap3A_575, %swap3A_576], %get3A_574 {strides = array<i32>} : memref<3080x512xf32, #tpu.memory_space<vmem>>, vector<1x512xf32>,
    %get3A_578 = arith.constant 0 : index
    %get3A_579 = arith.constant 0 : index
    %get3A_580 = vector.load %arg3[%get3A_578, %get3A_579] : memref<16x512xf32, #tpu.memory_space<vmem>>, vector<16x512xf32>
    %swap3A_581 = arith.constant 2003 : index
    %swap3A_582 = arith.constant 0 : index
    %swap3A_583 = vector.load %arg4[%swap3A_581, %swap3A_582] : memref<3080x512xf32, #tpu.memory_space<vmem>>, vector<16x512xf32>
    tpu.vector_store %arg4[%swap3A_581, %swap3A_582], %get3A_580 {strides = array<i32>} : memref<3080x512xf32, #tpu.memory_space<vmem>>, vector<16x512xf32>,
    %get3A_584 = arith.constant 0 : index
    %get3A_585 = arith.constant 26 : index
    %get3A_586 = arith.constant 0 : index
    %get3A_587 = vector.load %arg2[%get3A_584, %get3A_585, %get3A_586] : memref<60x40x512xf32, #tpu.memory_space<vmem>>, vector<60x1x512xf32>
    %get3A_588 = vector.shape_cast %get3A_587 : vector<60x1x512xf32> to vector<60x512xf32>
    %swap3A_589 = arith.constant 2019 : index
    %swap3A_590 = arith.constant 0 : index
    %swap3A_591 = vector.load %arg4[%swap3A_589, %swap3A_590] : memref<3080x512xf32, #tpu.memory_space<vmem>>, vector<60x512xf32>
    tpu.vector_store %arg4[%swap3A_589, %swap3A_590], %get3A_588 {strides = array<i32>} : memref<3080x512xf32, #tpu.memory_space<vmem>>, vector<60x512xf32>,
    %get3A_592 = arith.constant 27 : index
    %get3A_593 = arith.constant 0 : index
    %get3A_594 = arith.constant 0 : index
    %get3A_595 = vector.load %arg1[%get3A_592, %get3A_593, %get3A_594] : memref<40x1x512xf32, #tpu.memory_space<vmem>>, vector<1x1x512xf32>
    %get3A_596 = vector.shape_cast %get3A_595 : vector<1x1x512xf32> to vector<1x512xf32>
    %swap3A_597 = arith.constant 2079 : index
    %swap3A_598 = arith.constant 0 : index
    %swap3A_599 = vector.load %arg4[%swap3A_597, %swap3A_598] : memref<3080x512xf32, #tpu.memory_space<vmem>>, vector<1x512xf32>
    tpu.vector_store %arg4[%swap3A_597, %swap3A_598], %get3A_596 {strides = array<i32>} : memref<3080x512xf32, #tpu.memory_space<vmem>>, vector<1x512xf32>,
    %get3A_600 = arith.constant 0 : index
    %get3A_601 = arith.constant 0 : index
    %get3A_602 = vector.load %arg3[%get3A_600, %get3A_601] : memref<16x512xf32, #tpu.memory_space<vmem>>, vector<16x512xf32>
    %swap3A_603 = arith.constant 2080 : index
    %swap3A_604 = arith.constant 0 : index
    %swap3A_605 = vector.load %arg4[%swap3A_603, %swap3A_604] : memref<3080x512xf32, #tpu.memory_space<vmem>>, vector<16x512xf32>
    tpu.vector_store %arg4[%swap3A_603, %swap3A_604], %get3A_602 {strides = array<i32>} : memref<3080x512xf32, #tpu.memory_space<vmem>>, vector<16x512xf32>,
    %get3A_606 = arith.constant 0 : index
    %get3A_607 = arith.constant 27 : index
    %get3A_608 = arith.constant 0 : index
    %get3A_609 = vector.load %arg2[%get3A_606, %get3A_607, %get3A_608] : memref<60x40x512xf32, #tpu.memory_space<vmem>>, vector<60x1x512xf32>
    %get3A_610 = vector.shape_cast %get3A_609 : vector<60x1x512xf32> to vector<60x512xf32>
    %swap3A_611 = arith.constant 2096 : index
    %swap3A_612 = arith.constant 0 : index
    %swap3A_613 = vector.load %arg4[%swap3A_611, %swap3A_612] : memref<3080x512xf32, #tpu.memory_space<vmem>>, vector<60x512xf32>
    tpu.vector_store %arg4[%swap3A_611, %swap3A_612], %get3A_610 {strides = array<i32>} : memref<3080x512xf32, #tpu.memory_space<vmem>>, vector<60x512xf32>,
    %get3A_614 = arith.constant 28 : index
    %get3A_615 = arith.constant 0 : index
    %get3A_616 = arith.constant 0 : index
    %get3A_617 = vector.load %arg1[%get3A_614, %get3A_615, %get3A_616] : memref<40x1x512xf32, #tpu.memory_space<vmem>>, vector<1x1x512xf32>
    %get3A_618 = vector.shape_cast %get3A_617 : vector<1x1x512xf32> to vector<1x512xf32>
    %swap3A_619 = arith.constant 2156 : index
    %swap3A_620 = arith.constant 0 : index
    %swap3A_621 = vector.load %arg4[%swap3A_619, %swap3A_620] : memref<3080x512xf32, #tpu.memory_space<vmem>>, vector<1x512xf32>
    tpu.vector_store %arg4[%swap3A_619, %swap3A_620], %get3A_618 {strides = array<i32>} : memref<3080x512xf32, #tpu.memory_space<vmem>>, vector<1x512xf32>,
    %get3A_622 = arith.constant 0 : index
    %get3A_623 = arith.constant 0 : index
    %get3A_624 = vector.load %arg3[%get3A_622, %get3A_623] : memref<16x512xf32, #tpu.memory_space<vmem>>, vector<16x512xf32>
    %swap3A_625 = arith.constant 2157 : index
    %swap3A_626 = arith.constant 0 : index
    %swap3A_627 = vector.load %arg4[%swap3A_625, %swap3A_626] : memref<3080x512xf32, #tpu.memory_space<vmem>>, vector<16x512xf32>
    tpu.vector_store %arg4[%swap3A_625, %swap3A_626], %get3A_624 {strides = array<i32>} : memref<3080x512xf32, #tpu.memory_space<vmem>>, vector<16x512xf32>,
    %get3A_628 = arith.constant 0 : index
    %get3A_629 = arith.constant 28 : index
    %get3A_630 = arith.constant 0 : index
    %get3A_631 = vector.load %arg2[%get3A_628, %get3A_629, %get3A_630] : memref<60x40x512xf32, #tpu.memory_space<vmem>>, vector<60x1x512xf32>
    %get3A_632 = vector.shape_cast %get3A_631 : vector<60x1x512xf32> to vector<60x512xf32>
    %swap3A_633 = arith.constant 2173 : index
    %swap3A_634 = arith.constant 0 : index
    %swap3A_635 = vector.load %arg4[%swap3A_633, %swap3A_634] : memref<3080x512xf32, #tpu.memory_space<vmem>>, vector<60x512xf32>
    tpu.vector_store %arg4[%swap3A_633, %swap3A_634], %get3A_632 {strides = array<i32>} : memref<3080x512xf32, #tpu.memory_space<vmem>>, vector<60x512xf32>,
    %get3A_636 = arith.constant 29 : index
    %get3A_637 = arith.constant 0 : index
    %get3A_638 = arith.constant 0 : index
    %get3A_639 = vector.load %arg1[%get3A_636, %get3A_637, %get3A_638] : memref<40x1x512xf32, #tpu.memory_space<vmem>>, vector<1x1x512xf32>
    %get3A_640 = vector.shape_cast %get3A_639 : vector<1x1x512xf32> to vector<1x512xf32>
    %swap3A_641 = arith.constant 2233 : index
    %swap3A_642 = arith.constant 0 : index
    %swap3A_643 = vector.load %arg4[%swap3A_641, %swap3A_642] : memref<3080x512xf32, #tpu.memory_space<vmem>>, vector<1x512xf32>
    tpu.vector_store %arg4[%swap3A_641, %swap3A_642], %get3A_640 {strides = array<i32>} : memref<3080x512xf32, #tpu.memory_space<vmem>>, vector<1x512xf32>,
    %get3A_644 = arith.constant 0 : index
    %get3A_645 = arith.constant 0 : index
    %get3A_646 = vector.load %arg3[%get3A_644, %get3A_645] : memref<16x512xf32, #tpu.memory_space<vmem>>, vector<16x512xf32>
    %swap3A_647 = arith.constant 2234 : index
    %swap3A_648 = arith.constant 0 : index
    %swap3A_649 = vector.load %arg4[%swap3A_647, %swap3A_648] : memref<3080x512xf32, #tpu.memory_space<vmem>>, vector<16x512xf32>
    tpu.vector_store %arg4[%swap3A_647, %swap3A_648], %get3A_646 {strides = array<i32>} : memref<3080x512xf32, #tpu.memory_space<vmem>>, vector<16x512xf32>,
    %get3A_650 = arith.constant 0 : index
    %get3A_651 = arith.constant 29 : index
    %get3A_652 = arith.constant 0 : index
    %get3A_653 = vector.load %arg2[%get3A_650, %get3A_651, %get3A_652] : memref<60x40x512xf32, #tpu.memory_space<vmem>>, vector<60x1x512xf32>
    %get3A_654 = vector.shape_cast %get3A_653 : vector<60x1x512xf32> to vector<60x512xf32>
    %swap3A_655 = arith.constant 2250 : index
    %swap3A_656 = arith.constant 0 : index
    %swap3A_657 = vector.load %arg4[%swap3A_655, %swap3A_656] : memref<3080x512xf32, #tpu.memory_space<vmem>>, vector<60x512xf32>
    tpu.vector_store %arg4[%swap3A_655, %swap3A_656], %get3A_654 {strides = array<i32>} : memref<3080x512xf32, #tpu.memory_space<vmem>>, vector<60x512xf32>,
    %get3A_658 = arith.constant 30 : index
    %get3A_659 = arith.constant 0 : index
    %get3A_660 = arith.constant 0 : index
    %get3A_661 = vector.load %arg1[%get3A_658, %get3A_659, %get3A_660] : memref<40x1x512xf32, #tpu.memory_space<vmem>>, vector<1x1x512xf32>
    %get3A_662 = vector.shape_cast %get3A_661 : vector<1x1x512xf32> to vector<1x512xf32>
    %swap3A_663 = arith.constant 2310 : index
    %swap3A_664 = arith.constant 0 : index
    %swap3A_665 = vector.load %arg4[%swap3A_663, %swap3A_664] : memref<3080x512xf32, #tpu.memory_space<vmem>>, vector<1x512xf32>
    tpu.vector_store %arg4[%swap3A_663, %swap3A_664], %get3A_662 {strides = array<i32>} : memref<3080x512xf32, #tpu.memory_space<vmem>>, vector<1x512xf32>,
    %get3A_666 = arith.constant 0 : index
    %get3A_667 = arith.constant 0 : index
    %get3A_668 = vector.load %arg3[%get3A_666, %get3A_667] : memref<16x512xf32, #tpu.memory_space<vmem>>, vector<16x512xf32>
    %swap3A_669 = arith.constant 2311 : index
    %swap3A_670 = arith.constant 0 : index
    %swap3A_671 = vector.load %arg4[%swap3A_669, %swap3A_670] : memref<3080x512xf32, #tpu.memory_space<vmem>>, vector<16x512xf32>
    tpu.vector_store %arg4[%swap3A_669, %swap3A_670], %get3A_668 {strides = array<i32>} : memref<3080x512xf32, #tpu.memory_space<vmem>>, vector<16x512xf32>,
    %get3A_672 = arith.constant 0 : index
    %get3A_673 = arith.constant 30 : index
    %get3A_674 = arith.constant 0 : index
    %get3A_675 = vector.load %arg2[%get3A_672, %get3A_673, %get3A_674] : memref<60x40x512xf32, #tpu.memory_space<vmem>>, vector<60x1x512xf32>
    %get3A_676 = vector.shape_cast %get3A_675 : vector<60x1x512xf32> to vector<60x512xf32>
    %swap3A_677 = arith.constant 2327 : index
    %swap3A_678 = arith.constant 0 : index
    %swap3A_679 = vector.load %arg4[%swap3A_677, %swap3A_678] : memref<3080x512xf32, #tpu.memory_space<vmem>>, vector<60x512xf32>
    tpu.vector_store %arg4[%swap3A_677, %swap3A_678], %get3A_676 {strides = array<i32>} : memref<3080x512xf32, #tpu.memory_space<vmem>>, vector<60x512xf32>,
    %get3A_680 = arith.constant 31 : index
    %get3A_681 = arith.constant 0 : index
    %get3A_682 = arith.constant 0 : index
    %get3A_683 = vector.load %arg1[%get3A_680, %get3A_681, %get3A_682] : memref<40x1x512xf32, #tpu.memory_space<vmem>>, vector<1x1x512xf32>
    %get3A_684 = vector.shape_cast %get3A_683 : vector<1x1x512xf32> to vector<1x512xf32>
    %swap3A_685 = arith.constant 2387 : index
    %swap3A_686 = arith.constant 0 : index
    %swap3A_687 = vector.load %arg4[%swap3A_685, %swap3A_686] : memref<3080x512xf32, #tpu.memory_space<vmem>>, vector<1x512xf32>
    tpu.vector_store %arg4[%swap3A_685, %swap3A_686], %get3A_684 {strides = array<i32>} : memref<3080x512xf32, #tpu.memory_space<vmem>>, vector<1x512xf32>,
    %get3A_688 = arith.constant 0 : index
    %get3A_689 = arith.constant 0 : index
    %get3A_690 = vector.load %arg3[%get3A_688, %get3A_689] : memref<16x512xf32, #tpu.memory_space<vmem>>, vector<16x512xf32>
    %swap3A_691 = arith.constant 2388 : index
    %swap3A_692 = arith.constant 0 : index
    %swap3A_693 = vector.load %arg4[%swap3A_691, %swap3A_692] : memref<3080x512xf32, #tpu.memory_space<vmem>>, vector<16x512xf32>
    tpu.vector_store %arg4[%swap3A_691, %swap3A_692], %get3A_690 {strides = array<i32>} : memref<3080x512xf32, #tpu.memory_space<vmem>>, vector<16x512xf32>,
    %get3A_694 = arith.constant 0 : index
    %get3A_695 = arith.constant 31 : index
    %get3A_696 = arith.constant 0 : index
    %get3A_697 = vector.load %arg2[%get3A_694, %get3A_695, %get3A_696] : memref<60x40x512xf32, #tpu.memory_space<vmem>>, vector<60x1x512xf32>
    %get3A_698 = vector.shape_cast %get3A_697 : vector<60x1x512xf32> to vector<60x512xf32>
    %swap3A_699 = arith.constant 2404 : index
    %swap3A_700 = arith.constant 0 : index
    %swap3A_701 = vector.load %arg4[%swap3A_699, %swap3A_700] : memref<3080x512xf32, #tpu.memory_space<vmem>>, vector<60x512xf32>
    tpu.vector_store %arg4[%swap3A_699, %swap3A_700], %get3A_698 {strides = array<i32>} : memref<3080x512xf32, #tpu.memory_space<vmem>>, vector<60x512xf32>,
    %get3A_702 = arith.constant 32 : index
    %get3A_703 = arith.constant 0 : index
    %get3A_704 = arith.constant 0 : index
    %get3A_705 = vector.load %arg1[%get3A_702, %get3A_703, %get3A_704] : memref<40x1x512xf32, #tpu.memory_space<vmem>>, vector<1x1x512xf32>
    %get3A_706 = vector.shape_cast %get3A_705 : vector<1x1x512xf32> to vector<1x512xf32>
    %swap3A_707 = arith.constant 2464 : index
    %swap3A_708 = arith.constant 0 : index
    %swap3A_709 = vector.load %arg4[%swap3A_707, %swap3A_708] : memref<3080x512xf32, #tpu.memory_space<vmem>>, vector<1x512xf32>
    tpu.vector_store %arg4[%swap3A_707, %swap3A_708], %get3A_706 {strides = array<i32>} : memref<3080x512xf32, #tpu.memory_space<vmem>>, vector<1x512xf32>,
    %get3A_710 = arith.constant 0 : index
    %get3A_711 = arith.constant 0 : index
    %get3A_712 = vector.load %arg3[%get3A_710, %get3A_711] : memref<16x512xf32, #tpu.memory_space<vmem>>, vector<16x512xf32>
    %swap3A_713 = arith.constant 2465 : index
    %swap3A_714 = arith.constant 0 : index
    %swap3A_715 = vector.load %arg4[%swap3A_713, %swap3A_714] : memref<3080x512xf32, #tpu.memory_space<vmem>>, vector<16x512xf32>
    tpu.vector_store %arg4[%swap3A_713, %swap3A_714], %get3A_712 {strides = array<i32>} : memref<3080x512xf32, #tpu.memory_space<vmem>>, vector<16x512xf32>,
    %get3A_716 = arith.constant 0 : index
    %get3A_717 = arith.constant 32 : index
    %get3A_718 = arith.constant 0 : index
    %get3A_719 = vector.load %arg2[%get3A_716, %get3A_717, %get3A_718] : memref<60x40x512xf32, #tpu.memory_space<vmem>>, vector<60x1x512xf32>
    %get3A_720 = vector.shape_cast %get3A_719 : vector<60x1x512xf32> to vector<60x512xf32>
    %swap3A_721 = arith.constant 2481 : index
    %swap3A_722 = arith.constant 0 : index
    %swap3A_723 = vector.load %arg4[%swap3A_721, %swap3A_722] : memref<3080x512xf32, #tpu.memory_space<vmem>>, vector<60x512xf32>
    tpu.vector_store %arg4[%swap3A_721, %swap3A_722], %get3A_720 {strides = array<i32>} : memref<3080x512xf32, #tpu.memory_space<vmem>>, vector<60x512xf32>,
    %get3A_724 = arith.constant 33 : index
    %get3A_725 = arith.constant 0 : index
    %get3A_726 = arith.constant 0 : index
    %get3A_727 = vector.load %arg1[%get3A_724, %get3A_725, %get3A_726] : memref<40x1x512xf32, #tpu.memory_space<vmem>>, vector<1x1x512xf32>
    %get3A_728 = vector.shape_cast %get3A_727 : vector<1x1x512xf32> to vector<1x512xf32>
    %swap3A_729 = arith.constant 2541 : index
    %swap3A_730 = arith.constant 0 : index
    %swap3A_731 = vector.load %arg4[%swap3A_729, %swap3A_730] : memref<3080x512xf32, #tpu.memory_space<vmem>>, vector<1x512xf32>
    tpu.vector_store %arg4[%swap3A_729, %swap3A_730], %get3A_728 {strides = array<i32>} : memref<3080x512xf32, #tpu.memory_space<vmem>>, vector<1x512xf32>,
    %get3A_732 = arith.constant 0 : index
    %get3A_733 = arith.constant 0 : index
    %get3A_734 = vector.load %arg3[%get3A_732, %get3A_733] : memref<16x512xf32, #tpu.memory_space<vmem>>, vector<16x512xf32>
    %swap3A_735 = arith.constant 2542 : index
    %swap3A_736 = arith.constant 0 : index
    %swap3A_737 = vector.load %arg4[%swap3A_735, %swap3A_736] : memref<3080x512xf32, #tpu.memory_space<vmem>>, vector<16x512xf32>
    tpu.vector_store %arg4[%swap3A_735, %swap3A_736], %get3A_734 {strides = array<i32>} : memref<3080x512xf32, #tpu.memory_space<vmem>>, vector<16x512xf32>,
    %get3A_738 = arith.constant 0 : index
    %get3A_739 = arith.constant 33 : index
    %get3A_740 = arith.constant 0 : index
    %get3A_741 = vector.load %arg2[%get3A_738, %get3A_739, %get3A_740] : memref<60x40x512xf32, #tpu.memory_space<vmem>>, vector<60x1x512xf32>
    %get3A_742 = vector.shape_cast %get3A_741 : vector<60x1x512xf32> to vector<60x512xf32>
    %swap3A_743 = arith.constant 2558 : index
    %swap3A_744 = arith.constant 0 : index
    %swap3A_745 = vector.load %arg4[%swap3A_743, %swap3A_744] : memref<3080x512xf32, #tpu.memory_space<vmem>>, vector<60x512xf32>
    tpu.vector_store %arg4[%swap3A_743, %swap3A_744], %get3A_742 {strides = array<i32>} : memref<3080x512xf32, #tpu.memory_space<vmem>>, vector<60x512xf32>,
    %get3A_746 = arith.constant 34 : index
    %get3A_747 = arith.constant 0 : index
    %get3A_748 = arith.constant 0 : index
    %get3A_749 = vector.load %arg1[%get3A_746, %get3A_747, %get3A_748] : memref<40x1x512xf32, #tpu.memory_space<vmem>>, vector<1x1x512xf32>
    %get3A_750 = vector.shape_cast %get3A_749 : vector<1x1x512xf32> to vector<1x512xf32>
    %swap3A_751 = arith.constant 2618 : index
    %swap3A_752 = arith.constant 0 : index
    %swap3A_753 = vector.load %arg4[%swap3A_751, %swap3A_752] : memref<3080x512xf32, #tpu.memory_space<vmem>>, vector<1x512xf32>
    tpu.vector_store %arg4[%swap3A_751, %swap3A_752], %get3A_750 {strides = array<i32>} : memref<3080x512xf32, #tpu.memory_space<vmem>>, vector<1x512xf32>,
    %get3A_754 = arith.constant 0 : index
    %get3A_755 = arith.constant 0 : index
    %get3A_756 = vector.load %arg3[%get3A_754, %get3A_755] : memref<16x512xf32, #tpu.memory_space<vmem>>, vector<16x512xf32>
    %swap3A_757 = arith.constant 2619 : index
    %swap3A_758 = arith.constant 0 : index
    %swap3A_759 = vector.load %arg4[%swap3A_757, %swap3A_758] : memref<3080x512xf32, #tpu.memory_space<vmem>>, vector<16x512xf32>
    tpu.vector_store %arg4[%swap3A_757, %swap3A_758], %get3A_756 {strides = array<i32>} : memref<3080x512xf32, #tpu.memory_space<vmem>>, vector<16x512xf32>,
    %get3A_760 = arith.constant 0 : index
    %get3A_761 = arith.constant 34 : index
    %get3A_762 = arith.constant 0 : index
    %get3A_763 = vector.load %arg2[%get3A_760, %get3A_761, %get3A_762] : memref<60x40x512xf32, #tpu.memory_space<vmem>>, vector<60x1x512xf32>
    %get3A_764 = vector.shape_cast %get3A_763 : vector<60x1x512xf32> to vector<60x512xf32>
    %swap3A_765 = arith.constant 2635 : index
    %swap3A_766 = arith.constant 0 : index
    %swap3A_767 = vector.load %arg4[%swap3A_765, %swap3A_766] : memref<3080x512xf32, #tpu.memory_space<vmem>>, vector<60x512xf32>
    tpu.vector_store %arg4[%swap3A_765, %swap3A_766], %get3A_764 {strides = array<i32>} : memref<3080x512xf32, #tpu.memory_space<vmem>>, vector<60x512xf32>,
    %get3A_768 = arith.constant 35 : index
    %get3A_769 = arith.constant 0 : index
    %get3A_770 = arith.constant 0 : index
    %get3A_771 = vector.load %arg1[%get3A_768, %get3A_769, %get3A_770] : memref<40x1x512xf32, #tpu.memory_space<vmem>>, vector<1x1x512xf32>
    %get3A_772 = vector.shape_cast %get3A_771 : vector<1x1x512xf32> to vector<1x512xf32>
    %swap3A_773 = arith.constant 2695 : index
    %swap3A_774 = arith.constant 0 : index
    %swap3A_775 = vector.load %arg4[%swap3A_773, %swap3A_774] : memref<3080x512xf32, #tpu.memory_space<vmem>>, vector<1x512xf32>
    tpu.vector_store %arg4[%swap3A_773, %swap3A_774], %get3A_772 {strides = array<i32>} : memref<3080x512xf32, #tpu.memory_space<vmem>>, vector<1x512xf32>,
    %get3A_776 = arith.constant 0 : index
    %get3A_777 = arith.constant 0 : index
    %get3A_778 = vector.load %arg3[%get3A_776, %get3A_777] : memref<16x512xf32, #tpu.memory_space<vmem>>, vector<16x512xf32>
    %swap3A_779 = arith.constant 2696 : index
    %swap3A_780 = arith.constant 0 : index
    %swap3A_781 = vector.load %arg4[%swap3A_779, %swap3A_780] : memref<3080x512xf32, #tpu.memory_space<vmem>>, vector<16x512xf32>
    tpu.vector_store %arg4[%swap3A_779, %swap3A_780], %get3A_778 {strides = array<i32>} : memref<3080x512xf32, #tpu.memory_space<vmem>>, vector<16x512xf32>,
    %get3A_782 = arith.constant 0 : index
    %get3A_783 = arith.constant 35 : index
    %get3A_784 = arith.constant 0 : index
    %get3A_785 = vector.load %arg2[%get3A_782, %get3A_783, %get3A_784] : memref<60x40x512xf32, #tpu.memory_space<vmem>>, vector<60x1x512xf32>
    %get3A_786 = vector.shape_cast %get3A_785 : vector<60x1x512xf32> to vector<60x512xf32>
    %swap3A_787 = arith.constant 2712 : index
    %swap3A_788 = arith.constant 0 : index
    %swap3A_789 = vector.load %arg4[%swap3A_787, %swap3A_788] : memref<3080x512xf32, #tpu.memory_space<vmem>>, vector<60x512xf32>
    tpu.vector_store %arg4[%swap3A_787, %swap3A_788], %get3A_786 {strides = array<i32>} : memref<3080x512xf32, #tpu.memory_space<vmem>>, vector<60x512xf32>,
    %get3A_790 = arith.constant 36 : index
    %get3A_791 = arith.constant 0 : index
    %get3A_792 = arith.constant 0 : index
    %get3A_793 = vector.load %arg1[%get3A_790, %get3A_791, %get3A_792] : memref<40x1x512xf32, #tpu.memory_space<vmem>>, vector<1x1x512xf32>
    %get3A_794 = vector.shape_cast %get3A_793 : vector<1x1x512xf32> to vector<1x512xf32>
    %swap3A_795 = arith.constant 2772 : index
    %swap3A_796 = arith.constant 0 : index
    %swap3A_797 = vector.load %arg4[%swap3A_795, %swap3A_796] : memref<3080x512xf32, #tpu.memory_space<vmem>>, vector<1x512xf32>
    tpu.vector_store %arg4[%swap3A_795, %swap3A_796], %get3A_794 {strides = array<i32>} : memref<3080x512xf32, #tpu.memory_space<vmem>>, vector<1x512xf32>,
    %get3A_798 = arith.constant 0 : index
    %get3A_799 = arith.constant 0 : index
    %get3A_800 = vector.load %arg3[%get3A_798, %get3A_799] : memref<16x512xf32, #tpu.memory_space<vmem>>, vector<16x512xf32>
    %swap3A_801 = arith.constant 2773 : index
    %swap3A_802 = arith.constant 0 : index
    %swap3A_803 = vector.load %arg4[%swap3A_801, %swap3A_802] : memref<3080x512xf32, #tpu.memory_space<vmem>>, vector<16x512xf32>
    tpu.vector_store %arg4[%swap3A_801, %swap3A_802], %get3A_800 {strides = array<i32>} : memref<3080x512xf32, #tpu.memory_space<vmem>>, vector<16x512xf32>,
    %get3A_804 = arith.constant 0 : index
    %get3A_805 = arith.constant 36 : index
    %get3A_806 = arith.constant 0 : index
    %get3A_807 = vector.load %arg2[%get3A_804, %get3A_805, %get3A_806] : memref<60x40x512xf32, #tpu.memory_space<vmem>>, vector<60x1x512xf32>
    %get3A_808 = vector.shape_cast %get3A_807 : vector<60x1x512xf32> to vector<60x512xf32>
    %swap3A_809 = arith.constant 2789 : index
    %swap3A_810 = arith.constant 0 : index
    %swap3A_811 = vector.load %arg4[%swap3A_809, %swap3A_810] : memref<3080x512xf32, #tpu.memory_space<vmem>>, vector<60x512xf32>
    tpu.vector_store %arg4[%swap3A_809, %swap3A_810], %get3A_808 {strides = array<i32>} : memref<3080x512xf32, #tpu.memory_space<vmem>>, vector<60x512xf32>,
    %get3A_812 = arith.constant 37 : index
    %get3A_813 = arith.constant 0 : index
    %get3A_814 = arith.constant 0 : index
    %get3A_815 = vector.load %arg1[%get3A_812, %get3A_813, %get3A_814] : memref<40x1x512xf32, #tpu.memory_space<vmem>>, vector<1x1x512xf32>
    %get3A_816 = vector.shape_cast %get3A_815 : vector<1x1x512xf32> to vector<1x512xf32>
    %swap3A_817 = arith.constant 2849 : index
    %swap3A_818 = arith.constant 0 : index
    %swap3A_819 = vector.load %arg4[%swap3A_817, %swap3A_818] : memref<3080x512xf32, #tpu.memory_space<vmem>>, vector<1x512xf32>
    tpu.vector_store %arg4[%swap3A_817, %swap3A_818], %get3A_816 {strides = array<i32>} : memref<3080x512xf32, #tpu.memory_space<vmem>>, vector<1x512xf32>,
    %get3A_820 = arith.constant 0 : index
    %get3A_821 = arith.constant 0 : index
    %get3A_822 = vector.load %arg3[%get3A_820, %get3A_821] : memref<16x512xf32, #tpu.memory_space<vmem>>, vector<16x512xf32>
    %swap3A_823 = arith.constant 2850 : index
    %swap3A_824 = arith.constant 0 : index
    %swap3A_825 = vector.load %arg4[%swap3A_823, %swap3A_824] : memref<3080x512xf32, #tpu.memory_space<vmem>>, vector<16x512xf32>
    tpu.vector_store %arg4[%swap3A_823, %swap3A_824], %get3A_822 {strides = array<i32>} : memref<3080x512xf32, #tpu.memory_space<vmem>>, vector<16x512xf32>,
    %get3A_826 = arith.constant 0 : index
    %get3A_827 = arith.constant 37 : index
    %get3A_828 = arith.constant 0 : index
    %get3A_829 = vector.load %arg2[%get3A_826, %get3A_827, %get3A_828] : memref<60x40x512xf32, #tpu.memory_space<vmem>>, vector<60x1x512xf32>
    %get3A_830 = vector.shape_cast %get3A_829 : vector<60x1x512xf32> to vector<60x512xf32>
    %swap3A_831 = arith.constant 2866 : index
    %swap3A_832 = arith.constant 0 : index
    %swap3A_833 = vector.load %arg4[%swap3A_831, %swap3A_832] : memref<3080x512xf32, #tpu.memory_space<vmem>>, vector<60x512xf32>
    tpu.vector_store %arg4[%swap3A_831, %swap3A_832], %get3A_830 {strides = array<i32>} : memref<3080x512xf32, #tpu.memory_space<vmem>>, vector<60x512xf32>,
    %get3A_834 = arith.constant 38 : index
    %get3A_835 = arith.constant 0 : index
    %get3A_836 = arith.constant 0 : index
    %get3A_837 = vector.load %arg1[%get3A_834, %get3A_835, %get3A_836] : memref<40x1x512xf32, #tpu.memory_space<vmem>>, vector<1x1x512xf32>
    %get3A_838 = vector.shape_cast %get3A_837 : vector<1x1x512xf32> to vector<1x512xf32>
    %swap3A_839 = arith.constant 2926 : index
    %swap3A_840 = arith.constant 0 : index
    %swap3A_841 = vector.load %arg4[%swap3A_839, %swap3A_840] : memref<3080x512xf32, #tpu.memory_space<vmem>>, vector<1x512xf32>
    tpu.vector_store %arg4[%swap3A_839, %swap3A_840], %get3A_838 {strides = array<i32>} : memref<3080x512xf32, #tpu.memory_space<vmem>>, vector<1x512xf32>,
    %get3A_842 = arith.constant 0 : index
    %get3A_843 = arith.constant 0 : index
    %get3A_844 = vector.load %arg3[%get3A_842, %get3A_843] : memref<16x512xf32, #tpu.memory_space<vmem>>, vector<16x512xf32>
    %swap3A_845 = arith.constant 2927 : index
    %swap3A_846 = arith.constant 0 : index
    %swap3A_847 = vector.load %arg4[%swap3A_845, %swap3A_846] : memref<3080x512xf32, #tpu.memory_space<vmem>>, vector<16x512xf32>
    tpu.vector_store %arg4[%swap3A_845, %swap3A_846], %get3A_844 {strides = array<i32>} : memref<3080x512xf32, #tpu.memory_space<vmem>>, vector<16x512xf32>,
    %get3A_848 = arith.constant 0 : index
    %get3A_849 = arith.constant 38 : index
    %get3A_850 = arith.constant 0 : index
    %get3A_851 = vector.load %arg2[%get3A_848, %get3A_849, %get3A_850] : memref<60x40x512xf32, #tpu.memory_space<vmem>>, vector<60x1x512xf32>
    %get3A_852 = vector.shape_cast %get3A_851 : vector<60x1x512xf32> to vector<60x512xf32>
    %swap3A_853 = arith.constant 2943 : index
    %swap3A_854 = arith.constant 0 : index
    %swap3A_855 = vector.load %arg4[%swap3A_853, %swap3A_854] : memref<3080x512xf32, #tpu.memory_space<vmem>>, vector<60x512xf32>
    tpu.vector_store %arg4[%swap3A_853, %swap3A_854], %get3A_852 {strides = array<i32>} : memref<3080x512xf32, #tpu.memory_space<vmem>>, vector<60x512xf32>,
    %get3A_856 = arith.constant 39 : index
    %get3A_857 = arith.constant 0 : index
    %get3A_858 = arith.constant 0 : index
    %get3A_859 = vector.load %arg1[%get3A_856, %get3A_857, %get3A_858] : memref<40x1x512xf32, #tpu.memory_space<vmem>>, vector<1x1x512xf32>
    %get3A_860 = vector.shape_cast %get3A_859 : vector<1x1x512xf32> to vector<1x512xf32>
    %swap3A_861 = arith.constant 3003 : index
    %swap3A_862 = arith.constant 0 : index
    %swap3A_863 = vector.load %arg4[%swap3A_861, %swap3A_862] : memref<3080x512xf32, #tpu.memory_space<vmem>>, vector<1x512xf32>
    tpu.vector_store %arg4[%swap3A_861, %swap3A_862], %get3A_860 {strides = array<i32>} : memref<3080x512xf32, #tpu.memory_space<vmem>>, vector<1x512xf32>,
    %get3A_864 = arith.constant 0 : index
    %get3A_865 = arith.constant 0 : index
    %get3A_866 = vector.load %arg3[%get3A_864, %get3A_865] : memref<16x512xf32, #tpu.memory_space<vmem>>, vector<16x512xf32>
    %swap3A_867 = arith.constant 3004 : index
    %swap3A_868 = arith.constant 0 : index
    %swap3A_869 = vector.load %arg4[%swap3A_867, %swap3A_868] : memref<3080x512xf32, #tpu.memory_space<vmem>>, vector<16x512xf32>
    tpu.vector_store %arg4[%swap3A_867, %swap3A_868], %get3A_866 {strides = array<i32>} : memref<3080x512xf32, #tpu.memory_space<vmem>>, vector<16x512xf32>,
    %get3A_870 = arith.constant 0 : index
    %get3A_871 = arith.constant 39 : index
    %get3A_872 = arith.constant 0 : index
    %get3A_873 = vector.load %arg2[%get3A_870, %get3A_871, %get3A_872] : memref<60x40x512xf32, #tpu.memory_space<vmem>>, vector<60x1x512xf32>
    %get3A_874 = vector.shape_cast %get3A_873 : vector<60x1x512xf32> to vector<60x512xf32>
    %swap3A_875 = arith.constant 3020 : index
    %swap3A_876 = arith.constant 0 : index
    %swap3A_877 = vector.load %arg4[%swap3A_875, %swap3A_876] : memref<3080x512xf32, #tpu.memory_space<vmem>>, vector<60x512xf32>
    tpu.vector_store %arg4[%swap3A_875, %swap3A_876], %get3A_874 {strides = array<i32>} : memref<3080x512xf32, #tpu.memory_space<vmem>>, vector<60x512xf32>,
    return
  }
  func.func @transform_0(%arg0: i32) -> (i32, i32, i32) {
    %c0_i32 = arith.constant 0 : i32
    %c0_i32_0 = arith.constant 0 : i32
    %c0_i32_1 = arith.constant 0 : i32
    return %arg0, %c0_i32, %c0_i32_0 : i32, i32, i32
  }
  func.func @transform_1(%arg0: i32) -> (i32, i32, i32) {
    %c0_i32 = arith.constant 0 : i32
    %c0_i32_0 = arith.constant 0 : i32
    %c0_i32_1 = arith.constant 0 : i32
    return %c0_i32, %arg0, %c0_i32_0 : i32, i32, i32
  }
  func.func @transform_2(%arg0: i32) -> (i32, i32) {
    %c0_i32 = arith.constant 0 : i32
    %c0_i32_0 = arith.constant 0 : i32
    %c0_i32_1 = arith.constant 0 : i32
    return %c0_i32, %c0_i32_0 : i32, i32
  }
  func.func @transform_3(%arg0: i32) -> (i32, i32) {
    %c0_i32 = arith.constant 0 : i32
    %c0_i32_0 = arith.constant 0 : i32
    return %arg0, %c0_i32 : i32, i32
  }
}

</mosaic_0001>

<sc_bundles>
// kernel: kernel.4.cloned.1.call-start
scs
__scs_entry_jumppad:
0x0: {  	(pc) =	sbr.rel $0x88, $3  }
0x1: {  	(tag) =	ssettag $0x0;
	lr =	simm.s32 $0x1  }
0x2: {  	[smem:$0x3F9D] =	sst lr;
	_ =	strace $0xD0000000  }
0x3: {  	_ = 	snop  }
0x4: {  	_ = 	snop  }
0x5: {  	_ = 	snop  }
0x6: {  	_ = 	snop  }
0x7: {  	_ = 	snop  }
__scs_overlays_trampoline_lowered:
0x8: {  	[smem:$0x3FAC] =	sst s0  }
0x9: {  	[smem:$0x3FAD] =	sst s1  }
0xa: {  	[smem:$0x3FAE] =	sst s2  }
0xb: {  	[smem:$0x3FAF] =	sst s3  }
0xc: {  	[smem:$0x3FB0] =	sst s4  }
0xd: {  	[smem:$0x3FB1] =	sst s5  }
0xe: {  	[smem:$0x3FB2] =	sst s6  }
0xf: {  	[smem:$0x3FB3] =	sst s7  }
0x10: {  	[smem:$0x3FB4] =	sst s8  }
0x11: {  	[smem:$0x3FB5] =	sst s9;
	s0 =	simm.s32 @!p0 $0x0  }
0x12: {  	s1 =	sld [smem:$0x3F9B];
	s0 =	simm.s32 @p0 $0x1  }
0x13: {  	[smem:$0x3FB6] =	sst s0;
	s0 =	simm.s32 @!p1 $0x0  }
0x14: {  	s2 =	sld [smem:$0x3F9A];
	s0 =	simm.s32 @p1 $0x1  }
0x15: {  	[smem:$0x3FB7] =	sst s0;
	s0 =	simm.s32 @!p2 $0x0  }
0x16: {  	s3 =	sld [smem:$0x3FDB];
	s0 =	simm.s32 @p2 $0x1  }
0x17: {  	s4 =	simm.s32 $0x1BF5;
	[smem:$0x3FB9] =	sst s0  }
0x18: {  	s0 =	sld [smem:$0x3F9C];
	_ =	swait.ge [sflag:s4], $0x0  }
0x19: {  	s7 =	sld [smem:$0x3F9D]  }
0x1a: {  	s8 =	sadd.s32 $0xFFFFE003, lr  }
0x1b: {  	s9 =	sadd.s32 $0xFFFFFEF7, lr;
	s5 =	simm.s32 $0xFFFFFFFF;
	p2 =	slt.u32 s8, $0xFFFFF086  }
0x1c: {  	p1 =	slt.u32 s9, $0xF7A;
	s5 =	simm.s32 @!p2 $0x0  }
0x1d: {  	s5 =	simm.s32 @p1 $0x1;
	p0 =	seq.s32 s7, s2  }
0x1e: {  	s7 =	smul.u32 @!p0 $0xF7A, s2;
	p2 =	seq.s32 @!p0 s5, $0x0  }
0x1f: {  	s9 =	smul.u32 $0xF7A, s1;
	s8 =	simm.s32 @!p0 $0x1BF5;
	p2 =	por !p2, p0  }
0x20: {  	[sflag:s8] =	ssyncset.s32 @!p0 $0xFFFFF086;
	s6 =	sadd.s32 @!p0 s3, s7;
	s7 =	simm.s32 @!p0 $0x108  }
0x21: {  	s3 =	sadd.s32 s3, s9;
	s6 =	sadd.s32 @!p0 $0x88, s6;
	s7 =	simm.s32 @p2 $0x1082  }
0x22: {  	[simem:s7], [sflag:s8] =	dma.local @!p0 [hbm:s6], $0xF7A  }
0x23: {  	s9 =	sor.u32 $0xD0000000, s2;
	s6 =	simm.s32 $0x108;
	_ =	swait.ge @!p0 [sflag:s8], $0x0  }
0x24: {  	s3 =	sadd.s32 $0x88, s3;
	s6 =	simm.s32 @!p1 $0x1082;
	[sflag:s4] =	ssyncset.s32 $0xFFFFF086  }
0x25: {  	[simem:s6], [sflag:s4] =	dma.local [hbm:s3], $0xF7A  }
0x26: {  	[smem:$0x3F9D] =	sst s1;
	(tag) =	ssettag s2;
	_ =	strace s9  }
0x27: {  	s1 =	sld [smem:$0x3FAD]  }
0x28: {  	s2 =	sld [smem:$0x3FAE]  }
0x29: {  	s4 =	sld [smem:$0x3FB0]  }
0x2a: {  	p0 =	seq.s32 s5, $0x0;
	s5 =	sld [smem:$0x3FB1]  }
0x2b: {  	s6 =	sld [smem:$0x3FB2]  }
0x2c: {  	s7 =	sld [smem:$0x3FB3]  }
0x2d: {  	s3 =	simm.s32 $0x108;
	s8 =	sld [smem:$0x3FB4]  }
0x2e: {  	s3 =	simm.s32 @!p0 $0x1082;
	s9 =	sld [smem:$0x3FB5]  }
0x2f: {  	lr =	sadd.s32 s0, s3;
	s0 =	sld [smem:$0x3FAC]  }
0x30: {  	s3 =	sld [smem:$0x3FAF]  }
0x31: {  	[smem:$0x3FB8] =	sst s10  }
0x32: {  	s10 =	sld [smem:$0x3FB6];
	_ =	sdelay $0x3  }
0x33: {  	p0 =	seq.s32 s10, $0x1;
	s10 =	sld [smem:$0x3FB8];
	_ =	sdelay $0x3  }
0x34: {  	[smem:$0x3FB8] =	sst s10  }
0x35: {  	s10 =	sld [smem:$0x3FB7];
	_ =	sdelay $0x3  }
0x36: {  	p1 =	seq.s32 s10, $0x1;
	s10 =	sld [smem:$0x3FB8];
	_ =	sdelay $0x3  }
0x37: {  	[smem:$0x3FB8] =	sst s10  }
0x38: {  	s10 =	sld [smem:$0x3FB9]  }
0x39: {  	_ = 	snop;
	(pc) =	sbr.ind lr, $3  }
0x3a: {  	_ = 	snop  }
0x3b: {  	_ = 	snop  }
0x3c: {  	p2 =	seq.s32 s10, $0x1;
	s10 =	sld [smem:$0x3FB8]  }
0x3d: {  	_ =	shalt  }
0x3e: {  	_ =	shalt  }
0x3f: {  	_ =	shalt  }
0x40: {  	_ =	shalt  }
0x41: {  	_ =	shalt  }
0x42: {  	_ =	shalt  }
0x43: {  	_ =	shalt  }
0x44: {  	_ =	shalt  }
0x45: {  	_ =	shalt  }
0x46: {  	_ =	shalt  }
0x47: {  	_ =	shalt  }
0x48: {  	_ =	shalt  }
0x49: {  	_ =	shalt  }
0x4a: {  	_ =	shalt  }
0x4b: {  	_ =	shalt  }
0x4c: {  	_ =	shalt  }
0x4d: {  	_ =	shalt  }
0x4e: {  	_ =	shalt  }
0x4f: {  	_ =	shalt  }
0x50: {  	_ =	shalt  }
0x51: {  	_ =	shalt  }
0x52: {  	_ =	shalt  }
0x53: {  	_ =	shalt  }
0x54: {  	_ =	shalt  }
0x55: {  	_ =	shalt  }
0x56: {  	_ =	shalt  }
0x57: {  	_ =	shalt  }
0x58: {  	_ =	shalt  }
0x59: {  	_ =	shalt  }
0x5a: {  	_ =	shalt  }
0x5b: {  	_ =	shalt  }
0x5c: {  	_ =	shalt  }
0x5d: {  	_ =	shalt  }
0x5e: {  	_ =	shalt  }
0x5f: {  	_ =	shalt  }
0x60: {  	_ =	shalt  }
0x61: {  	_ =	shalt  }
0x62: {  	_ =	shalt  }
0x63: {  	_ =	shalt  }
0x64: {  	_ =	shalt  }
0x65: {  	_ =	shalt  }
0x66: {  	_ =	shalt  }
0x67: {  	_ =	shalt  }
0x68: {  	_ =	shalt  }
0x69: {  	_ =	shalt  }
0x6a: {  	_ =	shalt  }
0x6b: {  	_ =	shalt  }
0x6c: {  	_ =	shalt  }
0x6d: {  	_ =	shalt  }
0x6e: {  	_ =	shalt  }
0x6f: {  	_ =	shalt  }
0x70: {  	_ =	shalt  }
0x71: {  	_ =	shalt  }
0x72: {  	_ =	shalt  }
0x73: {  	_ =	shalt  }
0x74: {  	_ =	shalt  }
0x75: {  	_ =	shalt  }
0x76: {  	_ =	shalt  }
0x77: {  	_ =	shalt  }
0x78: {  	_ =	shalt  }
0x79: {  	_ =	shalt  }
0x7a: {  	_ =	shalt  }
0x7b: {  	_ =	shalt  }
0x7c: {  	_ =	shalt  }
0x7d: {  	_ =	shalt  }
0x7e: {  	_ =	shalt  }
0x7f: {  	_ =	shalt  }
0x80: {  	_ =	shalt  }
0x81: {  	_ =	shalt  }
0x82: {  	_ =	shalt  }
0x83: {  	_ =	shalt  }
0x84: {  	_ =	shalt  }
0x85: {  	_ =	shalt  }
0x86: {  	_ =	shalt  }
0x87: {  	_ =	shalt  }
.Lfunc_end0:
.L_simem_size_0:
called_computation_lowered:
.L_overlay_start_0:
0x88: {  	s2 =	sld [smem:$0x3FD9]  }
0x89: {  	s3 =	sld [smem:$0x3FFE];
	_ =	sdelay $0x1  }
0x8a: {  	s1 =	srdreg.scid  }
0x8b: {  	s0 =	sand.u32 $0x1, s1  }
0x8c: {  	s17 =	sshll.u32 s0, $0xA;
	s2 =	sadd.s32 s3, s2  }
0x8d: {  	s2 =	sadd.s32 s2, s17  }
0x8e: {  	[smem:$0x3FC4] =	sst s2  }
0x8f: {  	_ = 	snop  }
0x90: {  	s2 =	sld [smem:$0x3FD0];
	(tm) =	ssettm $0x1  }
0x91: {  	s18 =	sld [smem:$0x3FFB];
	_ =	sdelay $0x3  }
0x92: {  	_ =	strace s18  }
0x93: {  	s3 =	sld [smem:$0x3FFC];
	_ =	sdelay $0x3  }
0x94: {  	_ =	strace s3  }
0x95: {  	s3 =	sld [smem:$0x3FFD];
	_ =	sdelay $0x3  }
0x96: {  	_ =	strace s3  }
0x97: {  	_ =	strace $0x8FFFFFFF  }
0x98: {  	s19 =	sld [smem:$0x3FDB];
	_ =	sdelay $0x1  }
0x99: {  	s4 =	simm.s32 $_scs_section_size  }
0x9a: {  	s5 =	simm.s32 $_size__tile_overlayer_lowered;
	s6 =	simm.s32 $_tile_overlayer_lowered  }
0x9b: {  	s22 =	simm.s32 $0x1BFF;
	s21 =	sshll.u32 s6, $0x1;
	s3 =	sadd.s32 s4, s19  }
0x9c: {  	s7 =	simm.s32 $0x0;
	s20 =	sshll.u32 s5, $0x1;
	s5 =	sadd.s32 s21, s3  }
0x9d: {  	[timem:s7], [sflag:s22] =	dma.local [hbm:s5], s20  }
0x9e: {  	_ =	swait.ge [sflag:s22], s20  }
0x9f: {  	s4 =	ssub.s32 $0x0, s20;
	[sflag:s22] =	ssyncset.done $0x0  }
0xa0: {  	[sflag:s22] =	ssyncadd.s32 s4;
	_ =	sdelay $0x1  }
0xa1: {  	s23 =	simm.s32 $0x1B8B  }
0xa2: {  	_ =	swait.ge [sflag:s23], $0x1  }
0xa3: {  	[sflag:s23] =	ssyncset.done $0x0  }
0xa4: {  	s25 =	simm.s32 $0x1B8E;
	s24 =	sld [smem:$0x3FFE];
	[sflag:s23] =	ssyncadd.s32 $0xFFFFFFFF  }
0xa5: {  	s26 =	simm.s32 $execute0_lowered;
	[smem:$0x3FD2] =	sst s25  }
0xa6: {  	s5 =	sshll.u32 s26, $0x1;
	_ =	strace $0x80000046;
	[dreg:$0x1] =	wrdreg $0xFFFFFFFF  }
0xa7: {  	s28 =	simm.s32 $_size_execute0_lowered;
	s3 =	sadd.s32 s3, s5;
	[dreg:$0x0] =	wrdreg $0x0  }
0xa8: {  	s5 =	sshll.u32 s28, $0x1;
	[dreg:$0x2] =	wrdreg s3  }
0xa9: {  	[dreg:$0x3] =	wrdreg s5  }
0xaa: {  	[dreg:$0x4] =	wrdreg $0xC0  }
0xab: {  	_ =	task [dreg:s7], $0x5FFFF  }
0xac: {  	[dreg:$0x1] =	wrdreg $0xFFFFFFFF  }
0xad: {  	[dreg:$0x0] =	wrdreg $0x60  }
0xae: {  	[dreg:$0x2] =	wrdreg s24  }
0xaf: {  	[dreg:$0x3] =	wrdreg s2  }
0xb0: {  	[dreg:$0x4] =	wrdreg $0x9  }
0xb1: {  	_ =	task.clear_ibuf [dreg:s7], $0x5FFFF;
	_ =	strace $0x90000046  }
0xb2: {  	s29 =	simm.s32 $0x9;
	_ =	strace $0x80000048  }
0xb3: {  	_ =	swait.ge [sflag:s29], $0x1  }
0xb4: {  	[sflag:s29] =	ssyncadd.s32 $0xFFFFFFFF  }
0xb5: {  	_ =	strace $0x90000048  }
0xb6: {  	_ =	sfence  }
0xb7: {  	s30 =	sld [smem:$0x0];
	_ =	sdelay $0x2  }
0xb8: {  	s31 =	sshll.u32 s1, $0xD;
	s1 =	sshrl.u32 s1, $0x2  }
0xb9: {  	s3 =	sand.u32 $0x4000, s31;
	s1 =	sadd.s32 s1, s30  }
0xba: {  	s0 =	sor.u32 s3, s0;
	s1 =	sshll.u32 s1, $0x11  }
0xbb: {  	s0 =	sor.u32 s1, s0  }
0xbc: {  	s0 =	sadd.s32 $0x8F2B, s0  }
0xbd: {  	[sflag:s0] =	ssyncadd.remote.s32 $0x1  }
0xbe: {  	_ =	sfence.sel $0xFFFF  }
0xbf: {  	[dreg:$0x0] =	wrdreg $0xFFFFFFFF;
	(pc) =	sbr.abs _section_cstart, $3  }
0xc0: {  	[dreg:$0x1] =	wrdreg $0xFFFFFFFF  }
0xc1: {  	_ =	task.clear_ibuf [dreg:s7], $0x2FFFF;
	_ =	strace $0x9FFFFFFF  }
0xc2: {  	(tm) =	ssettm $0x7FFFFFFF  }
0xc3: {  	_ =	shalt  }
tec
execute0_lowered:
.L_overlay_start_1:
0x0: {  	(tag) =	ssettag $0x1  }
0x1: {  	s0 =	rddreg [dreg:$0x0]  }
0x2: {  	s1 =	srdreg.scid;
	s9 =	stileid.u32  }
0x3: {  	s4 =	rddreg [dreg:$0x1];
	s2 =	simm.s32 $0x0;
	s31 =	simm.s32 $0x2680  }
0x4: {  	s14 =	simm.s32 $0x2E80;
	s15 =	simm.s32 $0x3680;
	s16 =	simm.s32 $0x3E80  }
0x5: {  	s18 =	simm.s32 $0x4680;
	s19 =	simm.s32 $0x4E80;
	s20 =	simm.s32 $0x5680  }
0x6: {  	s12 =	simm.s32 $0x8680;
	s29 =	simm.s32 $0xA680;
	s28 =	simm.s32 $0xB680  }
0x7: {  	s30 =	simm.s32 $0xBE80;
	s17 =	simm.s32 $0x12680;
	s10 =	simm.s32 $0x4  }
0x8: {  	s11 =	simm.s32 $0x6;
	s13 =	simm.s32 $0x0;
	s1 =	sand.u32 $0x1, s1  }
0x9: {  	s3 =	sshll.u32 s9, $0x1;
	[smem:$0x7FF] =	sst s2;
	s21 =	sshll.u32 s9, $0xE  }
0xa: {  	s9 =	simm.s32 $0x3;
	s5 =	sor.u32 s1, s3;
	_ =	strace $0x80000047  }
0xb: {  	s7 =	ssub.s32 $0x2, s1;
	s3 =	sadd.s32 $0xA200, s0;
	s1 =	sshll.u32 s1, $0xD  }
0xc: {  	[dreg:$0x9] =	wrdreg s13;
	s6 =	smul.u32 $0x4D0, s5;
	s8 =	sshrl.u32 s7, $0x1  }
0xd: {  	s22 =	sshll.u32 s5, $0xD;
	s5 =	sadd.s32 $0xA300, s0;
	s7 =	ssub.s32 s7, s8  }
0xe: {  	s23 =	sadd.s32 s22, s4;
	s22 =	simm.s32 $0x6680;
	s8 =	simm.s32 $0x2  }
0xf: {  	s6 =	sadd.s32 s6, s0;
	s0 =	sadd.s32 $0x1301000, s23;
	s24 =	smax.u32 s7, $0x1  }
0x10: {  	s23 =	simm.s32 $0x8E80;
	s7 =	simm.s32 $0x1;
	[dreg:$0x5] =	wrdreg s0  }
0x11: {  	s6 =	sadd.s32 $0x800, s6;
	[dreg:$0x6] =	wrdreg s24;
	s0 =	simm.s32 $0x7680  }
0x12: {  	s24 =	simm.s32 $0x9680;
	[dreg:$0x3] =	wrdreg s6;
	s6 =	sadd.s32 s21, s4  }
0x13: {  	s21 =	simm.s32 $0x5E80;
	s4 =	simm.s32 $0x7E80;
	s1 =	sadd.s32 s1, s6  }
0x14: {  	v2 =	vlaneseq.u32;
	s6 =	simm.s32 $0x5;
	s25 =	sadd.s32 $0x1000, s1;
	[dreg:$0x4] =	wrdreg s1  }
0x15: {  	vm0 =	vmmov $0xffff;
	v1 =	vshrl.u32 v2, $0x3;
	s26 =	sadd.s32 $0x2000, s1;
	s1 =	simm.s32 $0x6E80;
	[dreg:$0x7] =	wrdreg s25  }
0x16: {  	v0 =	vand.u32 $0x7, v2;
	v2 =	vor.u32 $0x8, v2;
	v1 =	vmul.u32 $0x8, v1;
	[dreg:$0x8] =	wrdreg s26;
	s25 =	simm.s32 $0x9E80;
	s26 =	simm.s32 $0xAE80  }
.LBB2_1:
0x17: {  	s13 =	rddreg [dreg:$0x3]  }
0x18: {  	[tilespmem:s2], [sflag:$0x7] =	stream.linear.gather [hbm4b:s13+s2], $0x2680, $0x38;
	[tilespmem:$0x1A680] =	vst v63  }
0x19: {  	s13 =	simm.s32 $0x7  }
0x1a: {  	_ =	swait.ge [sflag:s13], $0x2680  }
0x1b: {  	[sflag:s13] =	ssyncset.done $0x0  }
0x1c: {  	[sflag:s13] =	ssyncadd.s32 $0xFFFFD980  }
0x1d: {  	v3 =	vld [tilespmem:$0x0];
	_ =	sdelay $0x4  }
0x1e: {  	v4 =	vshll.u32 v3, $0x2  }
0x1f: {  	v3 =	vand.u32 $0x7, v3;
	v4 =	vand.u32 $0xFFFFFFE0, v4  }
0x20: {  	v3 =	vor.u32 v3, v4  }
0x21: {  	v4 =	vperm.xlane v3, v0;
	_ =	sdelay $0x1  }
0x22: {  	v4 =	vadd.s32 v1, v4;
	_ =	sdelay $0x1  }
0x23: {  	v3 =	vperm.xlane v3, v2;
	_ =	sdelay $0x1  }
0x24: {  	v3 =	vadd.s32 v1, v3  }
0x25: {  	[tilespmem:s31], [sflag:$0x1] =	stream.indirect_vreg.gather [hbm4b:s3+s2], $0x80, v4, vm0, $0xb8;
	[tilespmem:$0x1A680] =	vst v63  }
0x26: {  	_ = 	snop  }
0x27: {  	[tilespmem:s14], [sflag:$0x1] =	stream.indirect_vreg.gather [hbm4b:s5+s2], $0x80, v4, vm0, $0xb8;
	[tilespmem:$0x1A680] =	vst v63  }
0x28: {  	_ = 	snop  }
0x29: {  	[tilespmem:s15], [sflag:$0x1] =	stream.indirect_vreg.gather [hbm4b:s3+s2], $0x80, v3, vm0, $0xb8;
	[tilespmem:$0x1A680] =	vst v63  }
0x2a: {  	_ = 	snop  }
0x2b: {  	[tilespmem:s16], [sflag:$0x1] =	stream.indirect_vreg.gather [hbm4b:s5+s2], $0x80, v3, vm0, $0xb8;
	[tilespmem:$0x1A680] =	vst v63  }
0x2c: {  	v3 =	vld [tilespmem:$0x10];
	_ =	sdelay $0x4  }
0x2d: {  	v53 =	vshll.u32 v3, $0x2  }
0x2e: {  	v3 =	vand.u32 $0x7, v3;
	v4 =	vand.u32 $0xFFFFFFE0, v53  }
0x2f: {  	v3 =	vor.u32 v3, v4  }
0x30: {  	v4 =	vperm.xlane v3, v0;
	_ =	sdelay $0x1  }
0x31: {  	v4 =	vadd.s32 v1, v4;
	_ =	sdelay $0x1  }
0x32: {  	v3 =	vperm.xlane v3, v2;
	_ =	sdelay $0x1  }
0x33: {  	v3 =	vadd.s32 v1, v3  }
0x34: {  	[tilespmem:s18], [sflag:$0x1] =	stream.indirect_vreg.gather [hbm4b:s3+s2], $0x80, v4, vm0, $0xb8;
	[tilespmem:$0x1A680] =	vst v63  }
0x35: {  	_ = 	snop  }
0x36: {  	[tilespmem:s19], [sflag:$0x1] =	stream.indirect_vreg.gather [hbm4b:s5+s2], $0x80, v4, vm0, $0xb8;
	[tilespmem:$0x1A680] =	vst v63  }
0x37: {  	_ = 	snop  }
0x38: {  	[tilespmem:s20], [sflag:$0x1] =	stream.indirect_vreg.gather [hbm4b:s3+s2], $0x80, v3, vm0, $0xb8;
	[tilespmem:$0x1A680] =	vst v63  }
0x39: {  	_ = 	snop  }
0x3a: {  	[tilespmem:s21], [sflag:$0x1] =	stream.indirect_vreg.gather [hbm4b:s5+s2], $0x80, v3, vm0, $0xb8;
	[tilespmem:$0x1A680] =	vst v63  }
0x3b: {  	v3 =	vld [tilespmem:$0x20];
	_ =	sdelay $0x4  }
0x3c: {  	v54 =	vshll.u32 v3, $0x2  }
0x3d: {  	v3 =	vand.u32 $0x7, v3;
	v4 =	vand.u32 $0xFFFFFFE0, v54  }
0x3e: {  	v3 =	vor.u32 v3, v4  }
0x3f: {  	v4 =	vperm.xlane v3, v0;
	_ =	sdelay $0x1  }
0x40: {  	v4 =	vadd.s32 v1, v4;
	_ =	sdelay $0x1  }
0x41: {  	v3 =	vperm.xlane v3, v2;
	_ =	sdelay $0x1  }
0x42: {  	v3 =	vadd.s32 v1, v3  }
0x43: {  	[tilespmem:s22], [sflag:$0x1] =	stream.indirect_vreg.gather [hbm4b:s3+s2], $0x80, v4, vm0, $0xb8;
	[tilespmem:$0x1A680] =	vst v63  }
0x44: {  	_ = 	snop  }
0x45: {  	[tilespmem:s1], [sflag:$0x1] =	stream.indirect_vreg.gather [hbm4b:s5+s2], $0x80, v4, vm0, $0xb8;
	[tilespmem:$0x1A680] =	vst v63  }
0x46: {  	_ = 	snop  }
0x47: {  	[tilespmem:s0], [sflag:$0x1] =	stream.indirect_vreg.gather [hbm4b:s3+s2], $0x80, v3, vm0, $0xb8;
	[tilespmem:$0x1A680] =	vst v63  }
0x48: {  	_ = 	snop  }
0x49: {  	[tilespmem:s4], [sflag:$0x1] =	stream.indirect_vreg.gather [hbm4b:s5+s2], $0x80, v3, vm0, $0xb8;
	[tilespmem:$0x1A680] =	vst v63  }
0x4a: {  	v3 =	vld [tilespmem:$0x30];
	_ =	sdelay $0x4  }
0x4b: {  	v55 =	vshll.u32 v3, $0x2  }
0x4c: {  	v3 =	vand.u32 $0x7, v3;
	v4 =	vand.u32 $0xFFFFFFE0, v55  }
0x4d: {  	v3 =	vor.u32 v3, v4  }
0x4e: {  	v4 =	vperm.xlane v3, v0;
	_ =	sdelay $0x1  }
0x4f: {  	v4 =	vadd.s32 v1, v4;
	_ =	sdelay $0x1  }
0x50: {  	v3 =	vperm.xlane v3, v2;
	_ =	sdelay $0x1  }
0x51: {  	v3 =	vadd.s32 v1, v3  }
0x52: {  	[tilespmem:s12], [sflag:$0x1] =	stream.indirect_vreg.gather [hbm4b:s3+s2], $0x80, v4, vm0, $0xb8;
	[tilespmem:$0x1A680] =	vst v63  }
0x53: {  	_ = 	snop  }
0x54: {  	[tilespmem:s23], [sflag:$0x1] =	stream.indirect_vreg.gather [hbm4b:s5+s2], $0x80, v4, vm0, $0xb8;
	[tilespmem:$0x1A680] =	vst v63  }
0x55: {  	_ = 	snop  }
0x56: {  	[tilespmem:s24], [sflag:$0x1] =	stream.indirect_vreg.gather [hbm4b:s3+s2], $0x80, v3, vm0, $0xb8;
	[tilespmem:$0x1A680] =	vst v63  }
0x57: {  	_ = 	snop  }
0x58: {  	[tilespmem:s25], [sflag:$0x1] =	stream.indirect_vreg.gather [hbm4b:s5+s2], $0x80, v3, vm0, $0xb8;
	[tilespmem:$0x1A680] =	vst v63  }
0x59: {  	v3 =	vld [tilespmem:$0x40];
	_ =	sdelay $0x4  }
0x5a: {  	v56 =	vshll.u32 v3, $0x2  }
0x5b: {  	v3 =	vand.u32 $0x7, v3;
	v4 =	vand.u32 $0xFFFFFFE0, v56  }
0x5c: {  	v3 =	vor.u32 v3, v4  }
0x5d: {  	v4 =	vperm.xlane v3, v0;
	_ =	sdelay $0x1  }
0x5e: {  	v4 =	vadd.s32 v1, v4;
	_ =	sdelay $0x1  }
0x5f: {  	v3 =	vperm.xlane v3, v2;
	_ =	sdelay $0x1  }
0x60: {  	v3 =	vadd.s32 v1, v3  }
0x61: {  	[tilespmem:s29], [sflag:$0x2] =	stream.indirect_vreg.gather [hbm4b:s3+s2], $0x80, v4, vm0, $0xb8;
	[tilespmem:$0x1A680] =	vst v63  }
0x62: {  	_ = 	snop  }
0x63: {  	[tilespmem:s26], [sflag:$0x2] =	stream.indirect_vreg.gather [hbm4b:s5+s2], $0x80, v4, vm0, $0xb8;
	[tilespmem:$0x1A680] =	vst v63  }
0x64: {  	_ = 	snop  }
0x65: {  	[tilespmem:s28], [sflag:$0x2] =	stream.indirect_vreg.gather [hbm4b:s3+s2], $0x80, v3, vm0, $0xb8;
	[tilespmem:$0x1A680] =	vst v63  }
0x66: {  	_ = 	snop  }
0x67: {  	[tilespmem:s30], [sflag:$0x2] =	stream.indirect_vreg.gather [hbm4b:s5+s2], $0x80, v3, vm0, $0xb8;
	[tilespmem:$0x1A680] =	vst v63  }
0x68: {  	v3 =	vld [tilespmem:$0x50];
	_ =	sdelay $0x4  }
0x69: {  	v57 =	vshll.u32 v3, $0x2  }
0x6a: {  	v3 =	vand.u32 $0x7, v3;
	v4 =	vand.u32 $0xFFFFFFE0, v57  }
0x6b: {  	v3 =	vor.u32 v3, v4  }
0x6c: {  	v4 =	vperm.xlane v3, v0;
	_ =	sdelay $0x1  }
0x6d: {  	v4 =	vadd.s32 v1, v4;
	_ =	sdelay $0x1  }
0x6e: {  	v3 =	vperm.xlane v3, v2;
	_ =	sdelay $0x1  }
0x6f: {  	s20 =	simm.s32 $0xC680;
	v3 =	vadd.s32 v1, v3  }
0x70: {  	[tilespmem:s20], [sflag:$0x2] =	stream.indirect_vreg.gather [hbm4b:s3+s2], $0x80, v4, vm0, $0xb8;
	[tilespmem:$0x1A680] =	vst v63  }
0x71: {  	s21 =	simm.s32 $0xCE80  }
0x72: {  	[tilespmem:s21], [sflag:$0x2] =	stream.indirect_vreg.gather [hbm4b:s5+s2], $0x80, v4, vm0, $0xb8;
	[tilespmem:$0x1A680] =	vst v63  }
0x73: {  	s22 =	simm.s32 $0xD680  }
0x74: {  	[tilespmem:s22], [sflag:$0x2] =	stream.indirect_vreg.gather [hbm4b:s3+s2], $0x80, v3, vm0, $0xb8;
	[tilespmem:$0x1A680] =	vst v63  }
0x75: {  	s23 =	simm.s32 $0xDE80  }
0x76: {  	[tilespmem:s23], [sflag:$0x2] =	stream.indirect_vreg.gather [hbm4b:s5+s2], $0x80, v3, vm0, $0xb8;
	[tilespmem:$0x1A680] =	vst v63  }
0x77: {  	v3 =	vld [tilespmem:$0x60];
	_ =	sdelay $0x4  }
0x78: {  	v58 =	vshll.u32 v3, $0x2  }
0x79: {  	v3 =	vand.u32 $0x7, v3;
	v4 =	vand.u32 $0xFFFFFFE0, v58  }
0x7a: {  	v3 =	vor.u32 v3, v4  }
0x7b: {  	v4 =	vperm.xlane v3, v0;
	_ =	sdelay $0x1  }
0x7c: {  	v4 =	vadd.s32 v1, v4;
	_ =	sdelay $0x1  }
0x7d: {  	v3 =	vperm.xlane v3, v2;
	_ =	sdelay $0x1  }
0x7e: {  	s24 =	simm.s32 $0xE680;
	v3 =	vadd.s32 v1, v3  }
0x7f: {  	[tilespmem:s24], [sflag:$0x2] =	stream.indirect_vreg.gather [hbm4b:s3+s2], $0x80, v4, vm0, $0xb8;
	[tilespmem:$0x1A680] =	vst v63  }
0x80: {  	s25 =	simm.s32 $0xEE80  }
0x81: {  	[tilespmem:s25], [sflag:$0x2] =	stream.indirect_vreg.gather [hbm4b:s5+s2], $0x80, v4, vm0, $0xb8;
	[tilespmem:$0x1A680] =	vst v63  }
0x82: {  	s26 =	simm.s32 $0xF680  }
0x83: {  	[tilespmem:s26], [sflag:$0x2] =	stream.indirect_vreg.gather [hbm4b:s3+s2], $0x80, v3, vm0, $0xb8;
	[tilespmem:$0x1A680] =	vst v63  }
0x84: {  	s31 =	simm.s32 $0xFE80  }
0x85: {  	[tilespmem:s31], [sflag:$0x2] =	stream.indirect_vreg.gather [hbm4b:s5+s2], $0x80, v3, vm0, $0xb8;
	[tilespmem:$0x1A680] =	vst v63  }
0x86: {  	v3 =	vld [tilespmem:$0x70];
	_ =	sdelay $0x4  }
0x87: {  	v59 =	vshll.u32 v3, $0x2  }
0x88: {  	v3 =	vand.u32 $0x7, v3;
	v4 =	vand.u32 $0xFFFFFFE0, v59  }
0x89: {  	v3 =	vor.u32 v3, v4  }
0x8a: {  	v4 =	vperm.xlane v3, v0;
	_ =	sdelay $0x1  }
0x8b: {  	v4 =	vadd.s32 v1, v4;
	_ =	sdelay $0x1  }
0x8c: {  	v3 =	vperm.xlane v3, v2;
	_ =	sdelay $0x1  }
0x8d: {  	s1 =	simm.s32 $0x10680;
	v3 =	vadd.s32 v1, v3  }
0x8e: {  	[tilespmem:s1], [sflag:$0x2] =	stream.indirect_vreg.gather [hbm4b:s3+s2], $0x80, v4, vm0, $0xb8;
	[tilespmem:$0x1A680] =	vst v63  }
0x8f: {  	s4 =	simm.s32 $0x10E80  }
0x90: {  	[tilespmem:s4], [sflag:$0x2] =	stream.indirect_vreg.gather [hbm4b:s5+s2], $0x80, v4, vm0, $0xb8;
	[tilespmem:$0x1A680] =	vst v63  }
0x91: {  	s12 =	simm.s32 $0x11680  }
0x92: {  	[tilespmem:s12], [sflag:$0x2] =	stream.indirect_vreg.gather [hbm4b:s3+s2], $0x80, v3, vm0, $0xb8;
	[tilespmem:$0x1A680] =	vst v63  }
0x93: {  	s13 =	simm.s32 $0x11E80  }
0x94: {  	[tilespmem:s13], [sflag:$0x2] =	stream.indirect_vreg.gather [hbm4b:s5+s2], $0x80, v3, vm0, $0xb8;
	[tilespmem:$0x1A680] =	vst v63  }
0x95: {  	v3 =	vld [tilespmem:$0x80];
	_ =	sdelay $0x4  }
0x96: {  	v60 =	vshll.u32 v3, $0x2  }
0x97: {  	v3 =	vand.u32 $0x7, v3;
	v4 =	vand.u32 $0xFFFFFFE0, v60  }
0x98: {  	v3 =	vor.u32 v3, v4  }
0x99: {  	v4 =	vperm.xlane v3, v0;
	_ =	sdelay $0x1  }
0x9a: {  	v4 =	vadd.s32 v1, v4;
	_ =	sdelay $0x1  }
0x9b: {  	v3 =	vperm.xlane v3, v2;
	_ =	sdelay $0x1  }
0x9c: {  	v3 =	vadd.s32 v1, v3  }
0x9d: {  	[tilespmem:s17], [sflag:$0x3] =	stream.indirect_vreg.gather [hbm4b:s3+s2], $0x80, v4, vm0, $0xb8;
	[tilespmem:$0x1A680] =	vst v63  }
0x9e: {  	s14 =	simm.s32 $0x12E80  }
0x9f: {  	[tilespmem:s14], [sflag:$0x3] =	stream.indirect_vreg.gather [hbm4b:s5+s2], $0x80, v4, vm0, $0xb8;
	[tilespmem:$0x1A680] =	vst v63  }
0xa0: {  	s15 =	simm.s32 $0x13680  }
0xa1: {  	[tilespmem:s15], [sflag:$0x3] =	stream.indirect_vreg.gather [hbm4b:s3+s2], $0x80, v3, vm0, $0xb8;
	[tilespmem:$0x1A680] =	vst v63  }
0xa2: {  	s16 =	simm.s32 $0x13E80  }
0xa3: {  	[tilespmem:s16], [sflag:$0x3] =	stream.indirect_vreg.gather [hbm4b:s5+s2], $0x80, v3, vm0, $0xb8;
	[tilespmem:$0x1A680] =	vst v63  }
0xa4: {  	v3 =	vld [tilespmem:$0x90];
	_ =	sdelay $0x4  }
0xa5: {  	v61 =	vshll.u32 v3, $0x2  }
0xa6: {  	v3 =	vand.u32 $0x7, v3;
	v4 =	vand.u32 $0xFFFFFFE0, v61  }
0xa7: {  	v3 =	vor.u32 v3, v4  }
0xa8: {  	v4 =	vperm.xlane v3, v0;
	_ =	sdelay $0x1  }
0xa9: {  	v4 =	vadd.s32 v1, v4;
	_ =	sdelay $0x1  }
0xaa: {  	v3 =	vperm.xlane v3, v2;
	_ =	sdelay $0x1  }
0xab: {  	s18 =	simm.s32 $0x14680;
	v3 =	vadd.s32 v1, v3  }
0xac: {  	[tilespmem:s18], [sflag:$0x3] =	stream.indirect_vreg.gather [hbm4b:s3+s2], $0x80, v4, vm0, $0xb8;
	[tilespmem:$0x1A680] =	vst v63  }
0xad: {  	s19 =	simm.s32 $0x14E80  }
0xae: {  	[tilespmem:s19], [sflag:$0x3] =	stream.indirect_vreg.gather [hbm4b:s5+s2], $0x80, v4, vm0, $0xb8;
	[tilespmem:$0x1A680] =	vst v63  }
0xaf: {  	s20 =	simm.s32 $0x15680  }
0xb0: {  	[tilespmem:s20], [sflag:$0x3] =	stream.indirect_vreg.gather [hbm4b:s3+s2], $0x80, v3, vm0, $0xb8;
	[tilespmem:$0x1A680] =	vst v63  }
0xb1: {  	s21 =	simm.s32 $0x15E80  }
0xb2: {  	[tilespmem:s21], [sflag:$0x3] =	stream.indirect_vreg.gather [hbm4b:s5+s2], $0x80, v3, vm0, $0xb8;
	[tilespmem:$0x1A680] =	vst v63  }
0xb3: {  	v3 =	vld [tilespmem:$0xA0];
	_ =	sdelay $0x4  }
0xb4: {  	v62 =	vshll.u32 v3, $0x2  }
0xb5: {  	v3 =	vand.u32 $0x7, v3;
	v4 =	vand.u32 $0xFFFFFFE0, v62  }
0xb6: {  	v3 =	vor.u32 v3, v4  }
0xb7: {  	v4 =	vperm.xlane v3, v0;
	_ =	sdelay $0x1  }
0xb8: {  	v4 =	vadd.s32 v1, v4;
	_ =	sdelay $0x1  }
0xb9: {  	v3 =	vperm.xlane v3, v2;
	_ =	sdelay $0x1  }
0xba: {  	s22 =	simm.s32 $0x16680;
	v3 =	vadd.s32 v1, v3  }
0xbb: {  	[tilespmem:s22], [sflag:$0x3] =	stream.indirect_vreg.gather [hbm4b:s3+s2], $0x80, v4, vm0, $0xb8;
	[tilespmem:$0x1A680] =	vst v63  }
0xbc: {  	s23 =	simm.s32 $0x16E80  }
0xbd: {  	[tilespmem:s23], [sflag:$0x3] =	stream.indirect_vreg.gather [hbm4b:s5+s2], $0x80, v4, vm0, $0xb8;
	[tilespmem:$0x1A680] =	vst v63  }
0xbe: {  	s24 =	simm.s32 $0x17680  }
0xbf: {  	[tilespmem:s24], [sflag:$0x3] =	stream.indirect_vreg.gather [hbm4b:s3+s2], $0x80, v3, vm0, $0xb8;
	[tilespmem:$0x1A680] =	vst v63  }
0xc0: {  	s25 =	simm.s32 $0x17E80  }
0xc1: {  	[tilespmem:s25], [sflag:$0x3] =	stream.indirect_vreg.gather [hbm4b:s5+s2], $0x80, v3, vm0, $0xb8;
	[tilespmem:$0x1A680] =	vst v63  }
0xc2: {  	v3 =	vld [tilespmem:$0xB0];
	_ =	sdelay $0x4  }
0xc3: {  	v63 =	vshll.u32 v3, $0x2  }
0xc4: {  	v3 =	vand.u32 $0x7, v3;
	v4 =	vand.u32 $0xFFFFFFE0, v63  }
0xc5: {  	v3 =	vor.u32 v3, v4  }
0xc6: {  	v4 =	vperm.xlane v3, v0;
	_ =	sdelay $0x1  }
0xc7: {  	v4 =	vadd.s32 v1, v4  }
0xc8: {  	s0 =	simm.s32 $0x9E80;
	s29 =	simm.s32 $0x19680  }
0xc9: {  	s28 =	simm.s32 $0x5680;
	s30 =	simm.s32 $0x5E80;
	s26 =	simm.s32 $0x18680;
	v3 =	vperm.xlane v3, v2  }
0xca: {  	s31 =	simm.s32 $0x18E80;
	s1 =	simm.s32 $0x19E80;
	s4 =	simm.s32 $0xAE80  }
0xcb: {  	s12 =	simm.s32 $0xB680;
	s13 =	simm.s32 $0x500;
	s15 =	rddreg [dreg:$0x8];
	v3 =	vadd.s32 v1, v3  }
0xcc: {  	[tilespmem:s26], [sflag:$0x3] =	stream.indirect_vreg.gather [hbm4b:s3+s2], $0x80, v4, vm0, $0xb8;
	[tilespmem:$0x1A680] =	vst v63  }
0xcd: {  	s14 =	simm.s32 $0x2;
	s16 =	simm.s32 $0x1;
	s18 =	rddreg [dreg:$0x7]  }
0xce: {  	[tilespmem:s31], [sflag:$0x3] =	stream.indirect_vreg.gather [hbm4b:s5+s2], $0x80, v4, vm0, $0xb8;
	[tilespmem:$0x1A680] =	vst v63  }
0xcf: {  	s19 =	simm.s32 $0x0;
	s20 =	rddreg [dreg:$0x4];
	s23 =	simm.s32 $0x9680  }
0xd0: {  	[tilespmem:s29], [sflag:$0x3] =	stream.indirect_vreg.gather [hbm4b:s3+s2], $0x80, v3, vm0, $0xb8;
	[tilespmem:$0x1A680] =	vst v63  }
0xd1: {  	s24 =	simm.s32 $0xBE80;
	s25 =	simm.s32 $0xA680;
	s26 =	simm.s32 $0x4E80  }
0xd2: {  	[tilespmem:s1], [sflag:$0x3] =	stream.indirect_vreg.gather [hbm4b:s5+s2], $0x80, v3, vm0, $0xb8;
	[tilespmem:$0x1A680] =	vst v63  }
.LBB2_2:
0xd3: {  	s21 =	sshrl.u32 s19, $0x1  }
0xd4: {  	_ =	swait.ge [sflag:s7], $0x8000;
	s21 =	smul.u32 $0x3E000, s21  }
0xd5: {  	[sflag:s7] =	ssyncset.done $0x0  }
0xd6: {  	s22 =	simm.s32 $0x2680;
	[sflag:s7] =	ssyncadd.s32 $0xFFFF8000;
	s21 =	sadd.s32 s21, s20  }
0xd7: {  	[hbm4b:s21+s2] =	stream.linear.scatter [tilespmem:s22], [sflag:$0x4], $0x8000, $0x38;
	[tilespmem:$0x1A680] =	vst v63  }
0xd8: {  	s21 =	sshrl.u32 s16, $0x1  }
0xd9: {  	s21 =	smul.u32 $0x3E000, s21;
	_ =	swait.ge [sflag:s8], $0x8000  }
0xda: {  	[sflag:s8] =	ssyncset.done $0x0  }
0xdb: {  	s21 =	sadd.s32 s21, s18;
	[sflag:s8] =	ssyncadd.s32 $0xFFFF8000  }
0xdc: {  	[hbm4b:s21+s2] =	stream.linear.scatter [tilespmem:s25], [sflag:$0x5], $0x8000, $0x38;
	[tilespmem:$0x1A680] =	vst v63  }
0xdd: {  	s21 =	sshrl.u32 s14, $0x1  }
0xde: {  	s21 =	smul.u32 $0x3E000, s21;
	_ =	swait.ge [sflag:s9], $0x8000  }
0xdf: {  	[sflag:s9] =	ssyncset.done $0x0  }
0xe0: {  	s21 =	sadd.s32 s21, s15;
	[sflag:s9] =	ssyncadd.s32 $0xFFFF8000  }
0xe1: {  	[hbm4b:s21+s2] =	stream.linear.scatter [tilespmem:s17], [sflag:$0x6], $0x8000, $0x38;
	[tilespmem:$0x1A680] =	vst v63  }
0xe2: {  	_ =	swait.ge [sflag:s10], $0x8000  }
0xe3: {  	[sflag:s10] =	ssyncset.done $0x0  }
0xe4: {  	s21 =	sshra.s32 s13, $0x2;
	[sflag:s10] =	ssyncadd.s32 $0xFFFF8000  }
0xe5: {  	v3 =	vld [tilespmem:s21+$0xFFFFFF80];
	_ =	sdelay $0x4  }
0xe6: {  	v4 =	vshll.u32 v3, $0x2  }
0xe7: {  	v3 =	vand.u32 $0x7, v3;
	v4 =	vand.u32 $0xFFFFFFE0, v4  }
0xe8: {  	v3 =	vor.u32 v3, v4  }
0xe9: {  	v4 =	vperm.xlane v3, v0;
	_ =	sdelay $0x1  }
0xea: {  	v4 =	vadd.s32 v1, v4;
	_ =	sdelay $0x1  }
0xeb: {  	v3 =	vperm.xlane v3, v2;
	_ =	sdelay $0x1  }
0xec: {  	v3 =	vadd.s32 v1, v3  }
0xed: {  	[tilespmem:s22], [sflag:$0x1] =	stream.indirect_vreg.gather [hbm4b:s3+s2], $0x80, v4, vm0, $0xb8;
	[tilespmem:$0x1A680] =	vst v63  }
0xee: {  	s22 =	simm.s32 $0x2E80  }
0xef: {  	[tilespmem:s22], [sflag:$0x1] =	stream.indirect_vreg.gather [hbm4b:s5+s2], $0x80, v4, vm0, $0xb8;
	[tilespmem:$0x1A680] =	vst v63  }
0xf0: {  	s22 =	simm.s32 $0x3680  }
0xf1: {  	[tilespmem:s22], [sflag:$0x1] =	stream.indirect_vreg.gather [hbm4b:s3+s2], $0x80, v3, vm0, $0xb8;
	[tilespmem:$0x1A680] =	vst v63  }
0xf2: {  	s22 =	simm.s32 $0x3E80  }
0xf3: {  	[tilespmem:s22], [sflag:$0x1] =	stream.indirect_vreg.gather [hbm4b:s5+s2], $0x80, v3, vm0, $0xb8;
	[tilespmem:$0x1A680] =	vst v63  }
0xf4: {  	v3 =	vld [tilespmem:s21+$0xFFFFFF90];
	_ =	sdelay $0x4  }
0xf5: {  	v53 =	vshll.u32 v3, $0x2  }
0xf6: {  	v3 =	vand.u32 $0x7, v3;
	v4 =	vand.u32 $0xFFFFFFE0, v53  }
0xf7: {  	v3 =	vor.u32 v3, v4  }
0xf8: {  	v4 =	vperm.xlane v3, v0;
	_ =	sdelay $0x1  }
0xf9: {  	v4 =	vadd.s32 v1, v4;
	_ =	sdelay $0x1  }
0xfa: {  	v3 =	vperm.xlane v3, v2;
	_ =	sdelay $0x1  }
0xfb: {  	s22 =	simm.s32 $0x4680;
	v3 =	vadd.s32 v1, v3  }
0xfc: {  	[tilespmem:s22], [sflag:$0x1] =	stream.indirect_vreg.gather [hbm4b:s3+s2], $0x80, v4, vm0, $0xb8;
	[tilespmem:$0x1A680] =	vst v63  }
0xfd: {  	_ = 	snop  }
0xfe: {  	[tilespmem:s26], [sflag:$0x1] =	stream.indirect_vreg.gather [hbm4b:s5+s2], $0x80, v4, vm0, $0xb8;
	[tilespmem:$0x1A680] =	vst v63  }
0xff: {  	_ = 	snop  }
0x100: {  	[tilespmem:s28], [sflag:$0x1] =	stream.indirect_vreg.gather [hbm4b:s3+s2], $0x80, v3, vm0, $0xb8;
	[tilespmem:$0x1A680] =	vst v63  }
0x101: {  	_ = 	snop  }
0x102: {  	[tilespmem:s30], [sflag:$0x1] =	stream.indirect_vreg.gather [hbm4b:s5+s2], $0x80, v3, vm0, $0xb8;
	[tilespmem:$0x1A680] =	vst v63  }
0x103: {  	v3 =	vld [tilespmem:s21+$0xFFFFFFA0];
	_ =	sdelay $0x4  }
0x104: {  	v54 =	vshll.u32 v3, $0x2  }
0x105: {  	v3 =	vand.u32 $0x7, v3;
	v4 =	vand.u32 $0xFFFFFFE0, v54  }
0x106: {  	v3 =	vor.u32 v3, v4  }
0x107: {  	v4 =	vperm.xlane v3, v0;
	_ =	sdelay $0x1  }
0x108: {  	v4 =	vadd.s32 v1, v4;
	_ =	sdelay $0x1  }
0x109: {  	v3 =	vperm.xlane v3, v2;
	_ =	sdelay $0x1  }
0x10a: {  	s22 =	simm.s32 $0x6680;
	v3 =	vadd.s32 v1, v3  }
0x10b: {  	[tilespmem:s22], [sflag:$0x1] =	stream.indirect_vreg.gather [hbm4b:s3+s2], $0x80, v4, vm0, $0xb8;
	[tilespmem:$0x1A680] =	vst v63  }
0x10c: {  	s22 =	simm.s32 $0x6E80  }
0x10d: {  	[tilespmem:s22], [sflag:$0x1] =	stream.indirect_vreg.gather [hbm4b:s5+s2], $0x80, v4, vm0, $0xb8;
	[tilespmem:$0x1A680] =	vst v63  }
0x10e: {  	s22 =	simm.s32 $0x7680  }
0x10f: {  	[tilespmem:s22], [sflag:$0x1] =	stream.indirect_vreg.gather [hbm4b:s3+s2], $0x80, v3, vm0, $0xb8;
	[tilespmem:$0x1A680] =	vst v63  }
0x110: {  	s22 =	simm.s32 $0x7E80  }
0x111: {  	[tilespmem:s22], [sflag:$0x1] =	stream.indirect_vreg.gather [hbm4b:s5+s2], $0x80, v3, vm0, $0xb8;
	[tilespmem:$0x1A680] =	vst v63  }
0x112: {  	v3 =	vld [tilespmem:s21+$0xFFFFFFB0];
	_ =	sdelay $0x4  }
0x113: {  	v55 =	vshll.u32 v3, $0x2  }
0x114: {  	v3 =	vand.u32 $0x7, v3;
	v4 =	vand.u32 $0xFFFFFFE0, v55  }
0x115: {  	v3 =	vor.u32 v3, v4  }
0x116: {  	v4 =	vperm.xlane v3, v0;
	_ =	sdelay $0x1  }
0x117: {  	v4 =	vadd.s32 v1, v4;
	_ =	sdelay $0x1  }
0x118: {  	v3 =	vperm.xlane v3, v2;
	_ =	sdelay $0x1  }
0x119: {  	s22 =	simm.s32 $0x8680;
	v3 =	vadd.s32 v1, v3  }
0x11a: {  	[tilespmem:s22], [sflag:$0x1] =	stream.indirect_vreg.gather [hbm4b:s3+s2], $0x80, v4, vm0, $0xb8;
	[tilespmem:$0x1A680] =	vst v63  }
0x11b: {  	s22 =	simm.s32 $0x8E80  }
0x11c: {  	[tilespmem:s22], [sflag:$0x1] =	stream.indirect_vreg.gather [hbm4b:s5+s2], $0x80, v4, vm0, $0xb8;
	[tilespmem:$0x1A680] =	vst v63  }
0x11d: {  	_ = 	snop  }
0x11e: {  	[tilespmem:s23], [sflag:$0x1] =	stream.indirect_vreg.gather [hbm4b:s3+s2], $0x80, v3, vm0, $0xb8;
	[tilespmem:$0x1A680] =	vst v63  }
0x11f: {  	_ = 	snop  }
0x120: {  	[tilespmem:s0], [sflag:$0x1] =	stream.indirect_vreg.gather [hbm4b:s5+s2], $0x80, v3, vm0, $0xb8;
	[tilespmem:$0x1A680] =	vst v63  }
0x121: {  	p0 =	seq.s32 s13, $0x9B00;
	s21 =	sadd.s32 $0xFFFFFF00, s13;
	_ =	swait.ge [sflag:s6], $0x8000  }
0x122: {  	s21 =	simm.s32 @p0 $0x0;
	[sflag:s6] =	ssyncset.done $0x0  }
0x123: {  	s21 =	sshra.s32 s21, $0x2;
	[sflag:s6] =	ssyncadd.s32 $0xFFFF8000  }
0x124: {  	v3 =	vld [tilespmem:s21+$0x0];
	_ =	sdelay $0x4  }
0x125: {  	v56 =	vshll.u32 v3, $0x2  }
0x126: {  	v3 =	vand.u32 $0x7, v3;
	v4 =	vand.u32 $0xFFFFFFE0, v56  }
0x127: {  	v3 =	vor.u32 v3, v4  }
0x128: {  	v4 =	vperm.xlane v3, v0;
	_ =	sdelay $0x1  }
0x129: {  	v4 =	vadd.s32 v1, v4;
	_ =	sdelay $0x1  }
0x12a: {  	v3 =	vperm.xlane v3, v2;
	_ =	sdelay $0x1  }
0x12b: {  	v3 =	vadd.s32 v1, v3  }
0x12c: {  	[tilespmem:s25], [sflag:$0x2] =	stream.indirect_vreg.gather [hbm4b:s3+s2], $0x80, v4, vm0, $0xb8;
	[tilespmem:$0x1A680] =	vst v63  }
0x12d: {  	_ = 	snop  }
0x12e: {  	[tilespmem:s4], [sflag:$0x2] =	stream.indirect_vreg.gather [hbm4b:s5+s2], $0x80, v4, vm0, $0xb8;
	[tilespmem:$0x1A680] =	vst v63  }
0x12f: {  	_ = 	snop  }
0x130: {  	[tilespmem:s12], [sflag:$0x2] =	stream.indirect_vreg.gather [hbm4b:s3+s2], $0x80, v3, vm0, $0xb8;
	[tilespmem:$0x1A680] =	vst v63  }
0x131: {  	_ = 	snop  }
0x132: {  	[tilespmem:s24], [sflag:$0x2] =	stream.indirect_vreg.gather [hbm4b:s5+s2], $0x80, v3, vm0, $0xb8;
	[tilespmem:$0x1A680] =	vst v63  }
0x133: {  	v3 =	vld [tilespmem:s21+$0x10];
	_ =	sdelay $0x4  }
0x134: {  	v57 =	vshll.u32 v3, $0x2  }
0x135: {  	v3 =	vand.u32 $0x7, v3;
	v4 =	vand.u32 $0xFFFFFFE0, v57  }
0x136: {  	v3 =	vor.u32 v3, v4  }
0x137: {  	v4 =	vperm.xlane v3, v0;
	_ =	sdelay $0x1  }
0x138: {  	v4 =	vadd.s32 v1, v4;
	_ =	sdelay $0x1  }
0x139: {  	v3 =	vperm.xlane v3, v2;
	_ =	sdelay $0x1  }
0x13a: {  	s22 =	simm.s32 $0xC680;
	v3 =	vadd.s32 v1, v3  }
0x13b: {  	[tilespmem:s22], [sflag:$0x2] =	stream.indirect_vreg.gather [hbm4b:s3+s2], $0x80, v4, vm0, $0xb8;
	[tilespmem:$0x1A680] =	vst v63  }
0x13c: {  	s22 =	simm.s32 $0xCE80  }
0x13d: {  	[tilespmem:s22], [sflag:$0x2] =	stream.indirect_vreg.gather [hbm4b:s5+s2], $0x80, v4, vm0, $0xb8;
	[tilespmem:$0x1A680] =	vst v63  }
0x13e: {  	s22 =	simm.s32 $0xD680  }
0x13f: {  	[tilespmem:s22], [sflag:$0x2] =	stream.indirect_vreg.gather [hbm4b:s3+s2], $0x80, v3, vm0, $0xb8;
	[tilespmem:$0x1A680] =	vst v63  }
0x140: {  	s22 =	simm.s32 $0xDE80  }
0x141: {  	[tilespmem:s22], [sflag:$0x2] =	stream.indirect_vreg.gather [hbm4b:s5+s2], $0x80, v3, vm0, $0xb8;
	[tilespmem:$0x1A680] =	vst v63  }
0x142: {  	v3 =	vld [tilespmem:s21+$0x20];
	_ =	sdelay $0x4  }
0x143: {  	v58 =	vshll.u32 v3, $0x2  }
0x144: {  	v3 =	vand.u32 $0x7, v3;
	v4 =	vand.u32 $0xFFFFFFE0, v58  }
0x145: {  	v3 =	vor.u32 v3, v4  }
0x146: {  	v4 =	vperm.xlane v3, v0;
	_ =	sdelay $0x1  }
0x147: {  	v4 =	vadd.s32 v1, v4;
	_ =	sdelay $0x1  }
0x148: {  	v3 =	vperm.xlane v3, v2;
	_ =	sdelay $0x1  }
0x149: {  	s22 =	simm.s32 $0xE680;
	v3 =	vadd.s32 v1, v3  }
0x14a: {  	[tilespmem:s22], [sflag:$0x2] =	stream.indirect_vreg.gather [hbm4b:s3+s2], $0x80, v4, vm0, $0xb8;
	[tilespmem:$0x1A680] =	vst v63  }
0x14b: {  	s22 =	simm.s32 $0xEE80  }
0x14c: {  	[tilespmem:s22], [sflag:$0x2] =	stream.indirect_vreg.gather [hbm4b:s5+s2], $0x80, v4, vm0, $0xb8;
	[tilespmem:$0x1A680] =	vst v63  }
0x14d: {  	s22 =	simm.s32 $0xF680  }
0x14e: {  	[tilespmem:s22], [sflag:$0x2] =	stream.indirect_vreg.gather [hbm4b:s3+s2], $0x80, v3, vm0, $0xb8;
	[tilespmem:$0x1A680] =	vst v63  }
0x14f: {  	s22 =	simm.s32 $0xFE80  }
0x150: {  	[tilespmem:s22], [sflag:$0x2] =	stream.indirect_vreg.gather [hbm4b:s5+s2], $0x80, v3, vm0, $0xb8;
	[tilespmem:$0x1A680] =	vst v63  }
0x151: {  	v3 =	vld [tilespmem:s21+$0x30];
	_ =	sdelay $0x4  }
0x152: {  	v59 =	vshll.u32 v3, $0x2  }
0x153: {  	v3 =	vand.u32 $0x7, v3;
	v4 =	vand.u32 $0xFFFFFFE0, v59  }
0x154: {  	v3 =	vor.u32 v3, v4  }
0x155: {  	v4 =	vperm.xlane v3, v0;
	_ =	sdelay $0x1  }
0x156: {  	v4 =	vadd.s32 v1, v4;
	_ =	sdelay $0x1  }
0x157: {  	v3 =	vperm.xlane v3, v2;
	_ =	sdelay $0x1  }
0x158: {  	s22 =	simm.s32 $0x10680;
	v3 =	vadd.s32 v1, v3  }
0x159: {  	[tilespmem:s22], [sflag:$0x2] =	stream.indirect_vreg.gather [hbm4b:s3+s2], $0x80, v4, vm0, $0xb8;
	[tilespmem:$0x1A680] =	vst v63  }
0x15a: {  	s22 =	simm.s32 $0x10E80  }
0x15b: {  	[tilespmem:s22], [sflag:$0x2] =	stream.indirect_vreg.gather [hbm4b:s5+s2], $0x80, v4, vm0, $0xb8;
	[tilespmem:$0x1A680] =	vst v63  }
0x15c: {  	s22 =	simm.s32 $0x11680  }
0x15d: {  	[tilespmem:s22], [sflag:$0x2] =	stream.indirect_vreg.gather [hbm4b:s3+s2], $0x80, v3, vm0, $0xb8;
	[tilespmem:$0x1A680] =	vst v63  }
0x15e: {  	s22 =	simm.s32 $0x11E80  }
0x15f: {  	[tilespmem:s22], [sflag:$0x2] =	stream.indirect_vreg.gather [hbm4b:s5+s2], $0x80, v3, vm0, $0xb8;
	[tilespmem:$0x1A680] =	vst v63  }
0x160: {  	s21 =	smov.u32 s13;
	_ =	swait.ge [sflag:s11], $0x8000  }
0x161: {  	s21 =	simm.s32 @p0 $0x100;
	[sflag:s11] =	ssyncset.done $0x0  }
0x162: {  	s21 =	sshra.s32 s21, $0x2;
	[sflag:s11] =	ssyncadd.s32 $0xFFFF8000  }
0x163: {  	v3 =	vld [tilespmem:s21+$0x0];
	_ =	sdelay $0x4  }
0x164: {  	v60 =	vshll.u32 v3, $0x2  }
0x165: {  	v3 =	vand.u32 $0x7, v3;
	v4 =	vand.u32 $0xFFFFFFE0, v60  }
0x166: {  	v3 =	vor.u32 v3, v4  }
0x167: {  	v4 =	vperm.xlane v3, v0;
	_ =	sdelay $0x1  }
0x168: {  	v4 =	vadd.s32 v1, v4;
	_ =	sdelay $0x1  }
0x169: {  	v3 =	vperm.xlane v3, v2;
	_ =	sdelay $0x1  }
0x16a: {  	v3 =	vadd.s32 v1, v3  }
0x16b: {  	[tilespmem:s17], [sflag:$0x3] =	stream.indirect_vreg.gather [hbm4b:s3+s2], $0x80, v4, vm0, $0xb8;
	[tilespmem:$0x1A680] =	vst v63  }
0x16c: {  	s22 =	simm.s32 $0x12E80  }
0x16d: {  	[tilespmem:s22], [sflag:$0x3] =	stream.indirect_vreg.gather [hbm4b:s5+s2], $0x80, v4, vm0, $0xb8;
	[tilespmem:$0x1A680] =	vst v63  }
0x16e: {  	s22 =	simm.s32 $0x13680  }
0x16f: {  	[tilespmem:s22], [sflag:$0x3] =	stream.indirect_vreg.gather [hbm4b:s3+s2], $0x80, v3, vm0, $0xb8;
	[tilespmem:$0x1A680] =	vst v63  }
0x170: {  	s22 =	simm.s32 $0x13E80  }
0x171: {  	[tilespmem:s22], [sflag:$0x3] =	stream.indirect_vreg.gather [hbm4b:s5+s2], $0x80, v3, vm0, $0xb8;
	[tilespmem:$0x1A680] =	vst v63  }
0x172: {  	v3 =	vld [tilespmem:s21+$0x10];
	_ =	sdelay $0x4  }
0x173: {  	v61 =	vshll.u32 v3, $0x2  }
0x174: {  	v3 =	vand.u32 $0x7, v3;
	v4 =	vand.u32 $0xFFFFFFE0, v61  }
0x175: {  	v3 =	vor.u32 v3, v4  }
0x176: {  	v4 =	vperm.xlane v3, v0;
	_ =	sdelay $0x1  }
0x177: {  	v4 =	vadd.s32 v1, v4;
	_ =	sdelay $0x1  }
0x178: {  	v3 =	vperm.xlane v3, v2;
	_ =	sdelay $0x1  }
0x179: {  	s22 =	simm.s32 $0x14680;
	v3 =	vadd.s32 v1, v3  }
0x17a: {  	[tilespmem:s22], [sflag:$0x3] =	stream.indirect_vreg.gather [hbm4b:s3+s2], $0x80, v4, vm0, $0xb8;
	[tilespmem:$0x1A680] =	vst v63  }
0x17b: {  	s22 =	simm.s32 $0x14E80  }
0x17c: {  	[tilespmem:s22], [sflag:$0x3] =	stream.indirect_vreg.gather [hbm4b:s5+s2], $0x80, v4, vm0, $0xb8;
	[tilespmem:$0x1A680] =	vst v63  }
0x17d: {  	s22 =	simm.s32 $0x15680  }
0x17e: {  	[tilespmem:s22], [sflag:$0x3] =	stream.indirect_vreg.gather [hbm4b:s3+s2], $0x80, v3, vm0, $0xb8;
	[tilespmem:$0x1A680] =	vst v63  }
0x17f: {  	s22 =	simm.s32 $0x15E80  }
0x180: {  	[tilespmem:s22], [sflag:$0x3] =	stream.indirect_vreg.gather [hbm4b:s5+s2], $0x80, v3, vm0, $0xb8;
	[tilespmem:$0x1A680] =	vst v63  }
0x181: {  	v3 =	vld [tilespmem:s21+$0x20];
	_ =	sdelay $0x4  }
0x182: {  	v62 =	vshll.u32 v3, $0x2  }
0x183: {  	v3 =	vand.u32 $0x7, v3;
	v4 =	vand.u32 $0xFFFFFFE0, v62  }
0x184: {  	v3 =	vor.u32 v3, v4  }
0x185: {  	v4 =	vperm.xlane v3, v0;
	_ =	sdelay $0x1  }
0x186: {  	v4 =	vadd.s32 v1, v4;
	_ =	sdelay $0x1  }
0x187: {  	v3 =	vperm.xlane v3, v2;
	_ =	sdelay $0x1  }
0x188: {  	s22 =	simm.s32 $0x16680;
	v3 =	vadd.s32 v1, v3  }
0x189: {  	[tilespmem:s22], [sflag:$0x3] =	stream.indirect_vreg.gather [hbm4b:s3+s2], $0x80, v4, vm0, $0xb8;
	[tilespmem:$0x1A680] =	vst v63  }
0x18a: {  	s22 =	simm.s32 $0x16E80  }
0x18b: {  	[tilespmem:s22], [sflag:$0x3] =	stream.indirect_vreg.gather [hbm4b:s5+s2], $0x80, v4, vm0, $0xb8;
	[tilespmem:$0x1A680] =	vst v63  }
0x18c: {  	s22 =	simm.s32 $0x17680  }
0x18d: {  	[tilespmem:s22], [sflag:$0x3] =	stream.indirect_vreg.gather [hbm4b:s3+s2], $0x80, v3, vm0, $0xb8;
	[tilespmem:$0x1A680] =	vst v63  }
0x18e: {  	s22 =	simm.s32 $0x17E80  }
0x18f: {  	[tilespmem:s22], [sflag:$0x3] =	stream.indirect_vreg.gather [hbm4b:s5+s2], $0x80, v3, vm0, $0xb8;
	[tilespmem:$0x1A680] =	vst v63  }
0x190: {  	v3 =	vld [tilespmem:s21+$0x30];
	_ =	sdelay $0x4  }
0x191: {  	v63 =	vshll.u32 v3, $0x2  }
0x192: {  	v3 =	vand.u32 $0x7, v3;
	v4 =	vand.u32 $0xFFFFFFE0, v63  }
0x193: {  	v3 =	vor.u32 v3, v4  }
0x194: {  	v4 =	vperm.xlane v3, v0;
	_ =	sdelay $0x1  }
0x195: {  	v4 =	vadd.s32 v1, v4;
	_ =	sdelay $0x2  }
0x196: {  	v3 =	vperm.xlane v3, v2  }
0x197: {  	s22 =	simm.s32 $0x18680  }
0x198: {  	v3 =	vadd.s32 v1, v3;
	[tilespmem:s22], [sflag:$0x3] =	stream.indirect_vreg.gather [hbm4b:s3+s2], $0x80, v4, vm0, $0xb8;
	[tilespmem:$0x1A680] =	vst v63  }
0x199: {  	p0 =	sne.s32 s13, $0x9B00;
	s22 =	simm.s32 $0x18E80  }
0x19a: {  	[tilespmem:s22], [sflag:$0x3] =	stream.indirect_vreg.gather [hbm4b:s5+s2], $0x80, v4, vm0, $0xb8;
	[tilespmem:$0x1A680] =	vst v63  }
.Ltmp0:
0x19b: {  	s31 =	simm.s32 $0x2680;
	s19 =	sadd.s32 $0x3, s19;
	(pc) =	sbr.rel @p0 .LBB2_2-.Ltmp0, $4  }
0x19c: {  	s20 =	sadd.s32 $0x3000, s20;
	s16 =	sadd.s32 $0x3, s16;
	s18 =	sadd.s32 $0x3000, s18  }
0x19d: {  	[tilespmem:s29], [sflag:$0x3] =	stream.indirect_vreg.gather [hbm4b:s3+s2], $0x80, v3, vm0, $0xb8;
	[tilespmem:$0x1A680] =	vst v63  }
0x19e: {  	s14 =	sadd.s32 $0x3, s14;
	s15 =	sadd.s32 $0x3000, s15;
	s13 =	sadd.s32 $0x300, s13  }
0x19f: {  	[tilespmem:s1], [sflag:$0x3] =	stream.indirect_vreg.gather [hbm4b:s5+s2], $0x80, v3, vm0, $0xb8;
	[tilespmem:$0x1A680] =	vst v63  }
0x1a0: {  	_ =	swait.ge [sflag:s7], $0x8000  }
0x1a1: {  	[sflag:s7] =	ssyncset.done $0x0  }
0x1a2: {  	s13 =	rddreg [dreg:$0x5];
	[sflag:s7] =	ssyncadd.s32 $0xFFFF8000  }
0x1a3: {  	[hbm4b:s13+s2] =	stream.linear.scatter [tilespmem:s31], [sflag:$0x4], $0x8000, $0x38;
	[tilespmem:$0x1A680] =	vst v63  }
0x1a4: {  	_ =	swait.ge [sflag:s10], $0x8000  }
0x1a5: {  	[sflag:s10] =	ssyncset.done $0x0  }
0x1a6: {  	[sflag:s10] =	ssyncadd.s32 $0xFFFF8000  }
0x1a7: {  	_ =	swait.ge [sflag:s8], $0x8000  }
0x1a8: {  	[sflag:s8] =	ssyncset.done $0x0  }
0x1a9: {  	s14 =	simm.s32 $0x2E80;
	[sflag:s8] =	ssyncadd.s32 $0xFFFF8000  }
0x1aa: {  	s15 =	simm.s32 $0x3680;
	s16 =	simm.s32 $0x3E80;
	_ =	swait.ge [sflag:s9], $0x8000  }
0x1ab: {  	s18 =	simm.s32 $0x4680;
	s19 =	simm.s32 $0x4E80;
	s0 =	rddreg [dreg:$0x9]  }
0x1ac: {  	s20 =	simm.s32 $0x5680;
	s26 =	rddreg [dreg:$0x6];
	s0 =	sadd.s32 $0x1, s0  }
0x1ad: {  	s21 =	simm.s32 $0x5E80;
	s22 =	simm.s32 $0x6680;
	p0 =	sne.s32 s0, s26  }
.Ltmp1:
0x1ae: {  	s1 =	simm.s32 $0x6E80;
	s4 =	simm.s32 $0x7E80;
	(pc) =	sbr.rel @p0 .LBB2_1-.Ltmp1, $4  }
0x1af: {  	s12 =	simm.s32 $0x8680;
	s23 =	simm.s32 $0x8E80;
	s24 =	simm.s32 $0x9680  }
0x1b0: {  	s25 =	simm.s32 $0x9E80;
	s28 =	simm.s32 $0xB680;
	[sflag:s9] =	ssyncset.done $0x0  }
0x1b1: {  	s30 =	simm.s32 $0xBE80;
	s29 =	simm.s32 $0xA680;
	[sflag:s9] =	ssyncadd.s32 $0xFFFF8000  }
0x1b2: {  	[dreg:$0x9] =	wrdreg s0;
	s0 =	simm.s32 $0x7680;
	s26 =	simm.s32 $0xAE80  }
0x1b3: {  	_ =	sfence.sel $0x180000  }
0x1b4: {  	[bflag:$0x0] =	sbarrier.arrive $0xFFFF  }
0x1b5: {  	_ =	strace $0x90000047  }
0x1b6: {  	s0 =	stileid.u32;
	[bflag:$0x2] =	sbarrier.arrive $0xFFFF  }
0x1b7: {  	p0 =	sne.s32 s0, $0x0;
	s0 =	rddreg [dreg:$0x2]  }
0x1b8: {  	s0 =	sadd.s32 @!p0 $0x100000, s0  }
0x1b9: {  	[sflag:s0] =	ssyncadd.tile.s32 @!p0 $0x1;
	_ =	shalt  }
.Lfunc_end2:
_tile_overlayer_lowered:
.L_overlay_start_2:
0x1ba: {  	(tag) =	ssettag $0x2  }
0x1bb: {  	s0 =	rddreg [dreg:$0x0];
	s2 =	stileid.u32  }
0x1bc: {  	s1 =	rddreg [dreg:$0x1];
	p0 =	sne.s32 s2, $0x0  }
0x1bd: {  	s3 =	rddreg [dreg:$0x2];
	[bflag:$0x3] =	sbarrier.arrive $0xFFFF;
	s2 =	simm.s32 @!p0 $0x1C07  }
0x1be: {  	[timem:s3], [sflag:s2] =	dma.local @!p0 [hbm:s0], s1  }
0x1bf: {  	s0 =	simm.s32 @!p0 $0x7  }
0x1c0: {  	_ =	swait.ge @!p0 [sflag:s0], s1  }
0x1c1: {  	s1 =	ssub.s32 @!p0 $0x0, s1;
	[sflag:s0] =	ssyncset.done @!p0 $0x0  }
0x1c2: {  	[sflag:s0] =	ssyncadd.s32 @!p0 s1  }
0x1c3: {  	[bflag:$0x3] =	sbarrier.arrive $0xFFFF  }
0x1c4: {  	_ =	shalt  }

</sc_bundles>
